<compile_context>
chip_gen: v7x
topology: tpu7x:2x2x1
jax: 0.10.2.dev20260603
libtpu: 0.0.44.dev20260713+nightly
codegen_flags: <defaults>
</compile_context>

<pallas_src>
import functools

import numpy as np
import jax
import jax.numpy as jnp
from jax import lax
from jax.experimental import pallas as pl
from jax.experimental.pallas import tpu as pltpu
from jax.experimental.pallas import tpu_sc as plsc

_VAR = np.array([(0, 1)] * 10 + [(0, 2)] * 15, dtype=np.int32)
_MEM = np.array(
    [(1, 0), (1, 1), (1, 2), (1, 3), (1, 4), (3, 4), (3, 3), (3, 2), (3, 1),
     (3, 0), (1, 0), (1, 1), (1, 2), (1, 3), (1, 4), (2, 0), (2, 1), (2, 2),
     (2, 3), (2, 4), (3, 0), (3, 1), (3, 2), (3, 3), (3, 4)], dtype=np.int32)
_FLAT = _VAR * 5 + _MEM
_FA = tuple(int(v) for v in _FLAT[:, 0])
_FB = tuple(int(v) for v in _FLAT[:, 1])
_FEATS = tuple(sorted(set(_FA) | set(_FB)))
_FIDX = {f: i for i, f in enumerate(_FEATS)}
_NFEAT = len(_FEATS)

_N = 1_000_000
_NR = 25
_NRP = 32
_CB = 1024
_NBLK = 976
_TAIL = _NBLK * _CB
_NW = 32
_KMAX = 32

_NC = _N // _CB


def _sc_body(xt_hbm, ot_hbm, xbuf, obuf, si0, si1, so0, so1):
    wid = lax.axis_index("s") * 2 + lax.axis_index("c")
    sin = (si0, si1)
    sout = (so0, so1)

    def cbase(k):
        return pl.multiple_of((k * _NW + wid) * _CB, 128)

    def start_in(k, p):
        @pl.when(k * _NW + wid < _NBLK)
        def _():
            pltpu.async_copy(xt_hbm.at[:, :, pl.ds(cbase(k), _CB)],
                             xbuf.at[p], sin[p])

    def compute(p):
        def group(g, gcarry):
            o = g * 16
            vals = {f: xbuf[p, f % 5, f // 5, pl.ds(o, 16)] for f in _FEATS}
            for r in range(_NR):
                w = jnp.minimum(vals[_FA[r]], vals[_FB[r]])
                obuf[p, r, pl.ds(o, 16)] = w
            return gcarry

        lax.fori_loop(0, _CB // 16, group, 0)

    def phase(k, p):
        b = k * _NW + wid
        cb = cbase(k)

        @pl.when(b < _NBLK)
        def _():
            pltpu.make_async_copy(xt_hbm.at[:, :, pl.ds(cb, _CB)],
                                  xbuf.at[p], sin[p]).wait()

            @pl.when(b >= 2 * _NW)
            def _():
                pltpu.make_async_copy(obuf.at[p], ot_hbm.at[:, pl.ds(cb, _CB)],
                                      sout[p]).wait()

            compute(p)
            pltpu.async_copy(obuf.at[p], ot_hbm.at[:, pl.ds(cb, _CB)], sout[p])

        start_in(k + 2, p)

    start_in(0, 0)
    start_in(1, 1)

    def j_body(j, carry):
        phase(2 * j, 0)
        phase(2 * j + 1, 1)
        return carry

    lax.fori_loop(0, _KMAX // 2, j_body, 0)

    for p in range(2):
        @pl.when(p * _NW + wid < _NBLK)
        def _(p=p):
            pltpu.make_async_copy(obuf.at[p], ot_hbm.at[:, pl.ds(0, _CB)],
                                  sout[p]).wait()


@functools.cache
def _sc_run():
    mesh = plsc.VectorSubcoreMesh(
        core_axis_name="c", subcore_axis_name="s",
        num_cores=2, num_subcores=16)
    return pl.kernel(
        _sc_body,
        out_type=jax.ShapeDtypeStruct((_NRP, _N), jnp.float32),
        mesh=mesh,
        compiler_params=pltpu.CompilerParams(needs_layout_passes=False),
        scratch_types=[
            pltpu.VMEM((2, 5, 3, _CB), jnp.float32),
            pltpu.VMEM((2, _NRP, _CB), jnp.float32),
            pltpu.SemaphoreType.DMA,
            pltpu.SemaphoreType.DMA,
            pltpu.SemaphoreType.DMA,
            pltpu.SemaphoreType.DMA,
        ],
    )


@jax.jit
def kernel(x):
    xt = jnp.transpose(x, (2, 1, 0))
    ot = _sc_run()(xt)
    xtail = lax.slice(x, (_TAIL, 0, 0), (_N, 3, 5))
    wtail = jnp.min(xtail[:, _VAR, _MEM], axis=2)
    wt32 = jnp.pad(wtail.T, ((0, _NRP - _NR), (0, 0)))
    ot = lax.dynamic_update_slice(ot, wt32, (0, _TAIL))
    return jnp.transpose(ot, (1, 0))[:, :_NR]

# --- scband reference (transcript-rebuilt; emitter-appended) ---
"""Pipeline reference for scband-mamdani-antecedent-layer-54563264529034 (READ-ONLY COPY).

The authoritative reference and input builder live on the scoring server;
editing this copy changes nothing except your own understanding.
"""

import jax, jax.numpy as jnp
import numpy as np

VAR_IDX = np.array([(0, 1)] * 10 + [(0, 2)] * 15, dtype=np.int32)  # [25, 2] indexes n_in dim
MEM_IDX = np.array([(1, 0), (1, 1), (1, 2), (1, 3), (1, 4), (3, 4), (3, 3), (3, 2), (3, 1), (3, 0), (1, 0), (1, 1), (1, 2), (1, 3), (1, 4), (2, 0), (2, 1), (2, 2), (2, 3), (2, 4), (3, 0), (3, 1), (3, 2), (3, 3), (3, 4)], dtype=np.int32)  # [25, 2] indexes n_mfs dim


def setup_inputs(seed: int = 0) -> dict:
    key = jax.random.key(seed)
    x = jax.random.uniform(key, (1000000, 3, 5), dtype=jnp.float32)
    return {"x": x}


def reference(x):
    # x: [n_cases, n_in, n_mfs]
    # Advanced indexing gather: weights[c, r, j] = x[c, VAR_IDX[r, j], MEM_IDX[r, j]]
    weights = x[:, VAR_IDX, MEM_IDX]  # [n_cases, 25, 2]
    # Fire strength = min over the antecedent memberships of each rule
    return jnp.min(weights, axis=2)  # [n_cases, 25]

if __name__ == "__main__":
    import jax
    _d = setup_inputs()
    print(jax.jit(kernel)(*tuple(_d.values())))

</pallas_src>

<mosaic_0001>
#map = affine_map<(d0, d1) -> (0, 0, 0)>
#map1 = affine_map<(d0, d1) -> (0, 0)>
module attributes {stable_mosaic.version = 14 : i64} {
  func.func @_sc_body(%arg0: i32, %arg1: i32, %arg2: memref<5x3x1000000xf32, #tpu.memory_space<hbm>>, %arg3: memref<32x1000000xf32, #tpu.memory_space<hbm>>, %arg4: memref<2x5x3x1024xf32, #tpu.memory_space<vmem>>, %arg5: memref<2x32x1024xf32, #tpu.memory_space<vmem>>, %arg6: memref<!tpu.dma_semaphore, #tpu.memory_space<semaphore_mem>>, %arg7: memref<!tpu.dma_semaphore, #tpu.memory_space<semaphore_mem>>, %arg8: memref<!tpu.dma_semaphore, #tpu.memory_space<semaphore_mem>>, %arg9: memref<!tpu.dma_semaphore, #tpu.memory_space<semaphore_mem>>) attributes {dimension_semantics = [#tpu.dimension_semantics<core_parallel>, #tpu.dimension_semantics<subcore_parallel>], iteration_bounds = array<i64: 2, 16>, scalar_prefetch = 0 : i64, scratch_operands = 6 : i64, tpu.core_type = #tpu.core_type<sc_vector_subcore>, window_params = [{transform_indices = #map}, {transform_indices = #map1}]} {
    %mul3A = arith.constant 2 : i32
    %mul3A_0 = arith.muli %arg1, %mul3A : i32
    %add3A = arith.addi %mul3A_0, %arg0 : i32
    %add3A_1 = arith.constant 0 : i32
    %add3A_2 = arith.addi %add3A_1, %add3A : i32
    %lt3A = arith.constant 976 : i32
    %lt3A_3 = arith.cmpi slt, %add3A_2, %lt3A : i32
    %convert_element_type3A = arith.extui %lt3A_3 : i1 to i32
    %cond3A = arith.constant 0 : i32
    %cond3A_4 = arith.cmpi ne, %convert_element_type3A, %cond3A : i32
    scf.if %cond3A_4 {
      %add3A_31 = arith.constant 0 : i32
      %add3A_32 = arith.addi %add3A_31, %add3A : i32
      %mul3A_33 = arith.constant 1024 : i32
      %mul3A_34 = arith.muli %add3A_32, %mul3A_33 : i32
      %multiple_of3A = tpu.assume_multiple %mul3A_34, 128 : i32
      %dma_start3A = arith.constant 0 : i32
      %dma_start3A_35 = arith.constant 0 : i32
      %dma_start3A_36 = arith.constant 0 : i32
      %dma_start3A_37 = arith.constant 0 : i32
      %dma_start3A_38 = tpu.memref_slice %arg4[%dma_start3A, %dma_start3A_35, %dma_start3A_36, %dma_start3A_37] : memref<2x5x3x1024xf32, #tpu.memory_space<vmem>> -> memref<1x5x3x1024xf32, #tpu.memory_space<vmem>>
      %dma_start3A_39 = tpu.memref_squeeze %dma_start3A_38 : memref<1x5x3x1024xf32, #tpu.memory_space<vmem>> -> memref<5x3x1024xf32, #tpu.memory_space<vmem>>
      %dma_start3A_40 = arith.constant 0 : i32
      %dma_start3A_41 = arith.constant 0 : i32
      %dma_start3A_42 = tpu.memref_slice %arg2[%dma_start3A_40, %dma_start3A_41, %multiple_of3A] : memref<5x3x1000000xf32, #tpu.memory_space<hbm>> -> memref<5x3x1024xf32, #tpu.memory_space<hbm>>
      %dma_start3A_43 = arith.constant 0 : i32
      %dma_start3A_44 = arith.constant 0 : i32
      %dma_start3A_45 = arith.constant 0 : i32
      %dma_start3A_46 = tpu.memref_slice %arg4[%dma_start3A, %dma_start3A_43, %dma_start3A_44, %dma_start3A_45] : memref<2x5x3x1024xf32, #tpu.memory_space<vmem>> -> memref<1x5x3x1024xf32, #tpu.memory_space<vmem>>
      %dma_start3A_47 = tpu.memref_squeeze %dma_start3A_46 : memref<1x5x3x1024xf32, #tpu.memory_space<vmem>> -> memref<5x3x1024xf32, #tpu.memory_space<vmem>>
      %dma_start3A_48 = arith.constant 0 : i32
      %dma_start3A_49 = arith.constant 0 : i32
      %dma_start3A_50 = tpu.memref_slice %arg2[%dma_start3A_48, %dma_start3A_49, %multiple_of3A] : memref<5x3x1000000xf32, #tpu.memory_space<hbm>> -> memref<5x3x1024xf32, #tpu.memory_space<hbm>>
      tpu.enqueue_dma source(%dma_start3A_50 : memref<5x3x1024xf32, #tpu.memory_space<hbm>>) target(%dma_start3A_47 : memref<5x3x1024xf32, #tpu.memory_space<vmem>>) target_semaphore(%arg6 : memref<!tpu.dma_semaphore, #tpu.memory_space<semaphore_mem>>)
    } else {
    }
    %add3A_5 = arith.constant 32 : i32
    %add3A_6 = arith.addi %add3A_5, %add3A : i32
    %lt3A_7 = arith.constant 976 : i32
    %lt3A_8 = arith.cmpi slt, %add3A_6, %lt3A_7 : i32
    %convert_element_type3A_9 = arith.extui %lt3A_8 : i1 to i32
    %cond3A_10 = arith.constant 0 : i32
    %cond3A_11 = arith.cmpi ne, %convert_element_type3A_9, %cond3A_10 : i32
    scf.if %cond3A_11 {
      %add3A_31 = arith.constant 32 : i32
      %add3A_32 = arith.addi %add3A_31, %add3A : i32
      %mul3A_33 = arith.constant 1024 : i32
      %mul3A_34 = arith.muli %add3A_32, %mul3A_33 : i32
      %multiple_of3A = tpu.assume_multiple %mul3A_34, 128 : i32
      %dma_start3A = arith.constant 1 : i32
      %dma_start3A_35 = arith.constant 0 : i32
      %dma_start3A_36 = arith.constant 0 : i32
      %dma_start3A_37 = arith.constant 0 : i32
      %dma_start3A_38 = tpu.memref_slice %arg4[%dma_start3A, %dma_start3A_35, %dma_start3A_36, %dma_start3A_37] : memref<2x5x3x1024xf32, #tpu.memory_space<vmem>> -> memref<1x5x3x1024xf32, #tpu.memory_space<vmem>>
      %dma_start3A_39 = tpu.memref_squeeze %dma_start3A_38 : memref<1x5x3x1024xf32, #tpu.memory_space<vmem>> -> memref<5x3x1024xf32, #tpu.memory_space<vmem>>
      %dma_start3A_40 = arith.constant 0 : i32
      %dma_start3A_41 = arith.constant 0 : i32
      %dma_start3A_42 = tpu.memref_slice %arg2[%dma_start3A_40, %dma_start3A_41, %multiple_of3A] : memref<5x3x1000000xf32, #tpu.memory_space<hbm>> -> memref<5x3x1024xf32, #tpu.memory_space<hbm>>
      %dma_start3A_43 = arith.constant 0 : i32
      %dma_start3A_44 = arith.constant 0 : i32
      %dma_start3A_45 = arith.constant 0 : i32
      %dma_start3A_46 = tpu.memref_slice %arg4[%dma_start3A, %dma_start3A_43, %dma_start3A_44, %dma_start3A_45] : memref<2x5x3x1024xf32, #tpu.memory_space<vmem>> -> memref<1x5x3x1024xf32, #tpu.memory_space<vmem>>
      %dma_start3A_47 = tpu.memref_squeeze %dma_start3A_46 : memref<1x5x3x1024xf32, #tpu.memory_space<vmem>> -> memref<5x3x1024xf32, #tpu.memory_space<vmem>>
      %dma_start3A_48 = arith.constant 0 : i32
      %dma_start3A_49 = arith.constant 0 : i32
      %dma_start3A_50 = tpu.memref_slice %arg2[%dma_start3A_48, %dma_start3A_49, %multiple_of3A] : memref<5x3x1000000xf32, #tpu.memory_space<hbm>> -> memref<5x3x1024xf32, #tpu.memory_space<hbm>>
      tpu.enqueue_dma source(%dma_start3A_50 : memref<5x3x1024xf32, #tpu.memory_space<hbm>>) target(%dma_start3A_47 : memref<5x3x1024xf32, #tpu.memory_space<vmem>>) target_semaphore(%arg7 : memref<!tpu.dma_semaphore, #tpu.memory_space<semaphore_mem>>)
    } else {
    }
    %scan3A = arith.constant 0 : i32
    %scan3A_12 = arith.constant 0 : i32
    %scan3A_13 = arith.constant 16 : i32
    %scan3A_14 = arith.addi %scan3A_12, %scan3A_13 : i32
    %scan3A_15 = arith.constant 1 : i32
    scf.for %scan3A_31 = %scan3A_12 to %scan3A_14 step %scan3A_15  : i32 {
      %mul3A_32 = arith.constant 2 : i32
      %mul3A_33 = arith.muli %mul3A_32, %scan3A_31 : i32
      %mul3A_34 = arith.constant 32 : i32
      %mul3A_35 = arith.muli %mul3A_33, %mul3A_34 : i32
      %add3A_36 = arith.addi %mul3A_35, %add3A : i32
      %mul3A_37 = arith.constant 32 : i32
      %mul3A_38 = arith.muli %mul3A_33, %mul3A_37 : i32
      %add3A_39 = arith.addi %mul3A_38, %add3A : i32
      %mul3A_40 = arith.constant 1024 : i32
      %mul3A_41 = arith.muli %add3A_39, %mul3A_40 : i32
      %multiple_of3A = tpu.assume_multiple %mul3A_41, 128 : i32
      %lt3A_42 = arith.constant 976 : i32
      %lt3A_43 = arith.cmpi slt, %add3A_36, %lt3A_42 : i32
      %convert_element_type3A_44 = arith.extui %lt3A_43 : i1 to i32
      %cond3A_45 = arith.constant 0 : i32
      %cond3A_46 = arith.cmpi ne, %convert_element_type3A_44, %cond3A_45 : i32
      scf.if %cond3A_46 {
        %dma_wait3A = arith.constant 0 : i32
        %dma_wait3A_85 = arith.constant 0 : i32
        %dma_wait3A_86 = arith.constant 0 : i32
        %dma_wait3A_87 = arith.constant 0 : i32
        %dma_wait3A_88 = tpu.memref_slice %arg4[%dma_wait3A, %dma_wait3A_85, %dma_wait3A_86, %dma_wait3A_87] : memref<2x5x3x1024xf32, #tpu.memory_space<vmem>> -> memref<1x5x3x1024xf32, #tpu.memory_space<vmem>>
        %dma_wait3A_89 = tpu.memref_squeeze %dma_wait3A_88 : memref<1x5x3x1024xf32, #tpu.memory_space<vmem>> -> memref<5x3x1024xf32, #tpu.memory_space<vmem>>
        %dma_wait3A_90 = arith.constant 0 : i32
        %dma_wait3A_91 = arith.constant 0 : i32
        %dma_wait3A_92 = tpu.memref_slice %arg2[%dma_wait3A_90, %dma_wait3A_91, %multiple_of3A] : memref<5x3x1000000xf32, #tpu.memory_space<hbm>> -> memref<5x3x1024xf32, #tpu.memory_space<hbm>>
        %dma_wait3A_93 = arith.constant 0 : i32
        %dma_wait3A_94 = arith.constant 0 : i32
        %dma_wait3A_95 = arith.constant 0 : i32
        %dma_wait3A_96 = tpu.memref_slice %arg4[%dma_wait3A, %dma_wait3A_93, %dma_wait3A_94, %dma_wait3A_95] : memref<2x5x3x1024xf32, #tpu.memory_space<vmem>> -> memref<1x5x3x1024xf32, #tpu.memory_space<vmem>>
        %dma_wait3A_97 = tpu.memref_squeeze %dma_wait3A_96 : memref<1x5x3x1024xf32, #tpu.memory_space<vmem>> -> memref<5x3x1024xf32, #tpu.memory_space<vmem>>
        %dma_wait3A_98 = arith.constant 0 : i32
        %dma_wait3A_99 = arith.constant 0 : i32
        %dma_wait3A_100 = tpu.memref_slice %arg2[%dma_wait3A_98, %dma_wait3A_99, %multiple_of3A] : memref<5x3x1000000xf32, #tpu.memory_space<hbm>> -> memref<5x3x1024xf32, #tpu.memory_space<hbm>>
        tpu.wait_dma2 semaphore(%arg6 : memref<!tpu.dma_semaphore, #tpu.memory_space<semaphore_mem>>) src(%dma_wait3A_100 : memref<5x3x1024xf32, #tpu.memory_space<hbm>>) dst(%dma_wait3A_97 : memref<5x3x1024xf32, #tpu.memory_space<vmem>>)
        %ge3A = arith.constant 64 : i32
        %ge3A_101 = arith.cmpi sge, %add3A_36, %ge3A : i32
        %convert_element_type3A_102 = arith.extui %ge3A_101 : i1 to i32
        %cond3A_103 = arith.constant 0 : i32
        %cond3A_104 = arith.cmpi ne, %convert_element_type3A_102, %cond3A_103 : i32
        scf.if %cond3A_104 {
          %dma_wait3A_123 = arith.constant 0 : i32
          %dma_wait3A_124 = arith.constant 0 : i32
          %dma_wait3A_125 = arith.constant 0 : i32
          %dma_wait3A_126 = tpu.memref_slice %arg5[%dma_wait3A_123, %dma_wait3A_124, %dma_wait3A_125] : memref<2x32x1024xf32, #tpu.memory_space<vmem>> -> memref<1x32x1024xf32, #tpu.memory_space<vmem>>
          %dma_wait3A_127 = tpu.memref_squeeze %dma_wait3A_126 : memref<1x32x1024xf32, #tpu.memory_space<vmem>> -> memref<32x1024xf32, #tpu.memory_space<vmem>>
          %dma_wait3A_128 = arith.constant 0 : i32
          %dma_wait3A_129 = tpu.memref_slice %arg3[%dma_wait3A_128, %multiple_of3A] : memref<32x1000000xf32, #tpu.memory_space<hbm>> -> memref<32x1024xf32, #tpu.memory_space<hbm>>
          %dma_wait3A_130 = arith.constant 0 : i32
          %dma_wait3A_131 = tpu.memref_slice %arg3[%dma_wait3A_130, %multiple_of3A] : memref<32x1000000xf32, #tpu.memory_space<hbm>> -> memref<32x1024xf32, #tpu.memory_space<hbm>>
          %dma_wait3A_132 = arith.constant 0 : i32
          %dma_wait3A_133 = arith.constant 0 : i32
          %dma_wait3A_134 = tpu.memref_slice %arg5[%dma_wait3A_123, %dma_wait3A_132, %dma_wait3A_133] : memref<2x32x1024xf32, #tpu.memory_space<vmem>> -> memref<1x32x1024xf32, #tpu.memory_space<vmem>>
          %dma_wait3A_135 = tpu.memref_squeeze %dma_wait3A_134 : memref<1x32x1024xf32, #tpu.memory_space<vmem>> -> memref<32x1024xf32, #tpu.memory_space<vmem>>
          tpu.wait_dma2 semaphore(%arg8 : memref<!tpu.dma_semaphore, #tpu.memory_space<semaphore_mem>>) src(%dma_wait3A_135 : memref<32x1024xf32, #tpu.memory_space<vmem>>) dst(%dma_wait3A_131 : memref<32x1024xf32, #tpu.memory_space<hbm>>)
        } else {
        }
        %scan3A_105 = arith.constant 0 : i32
        %scan3A_106 = arith.constant 0 : i32
        %scan3A_107 = arith.constant 64 : i32
        %scan3A_108 = arith.addi %scan3A_106, %scan3A_107 : i32
        %scan3A_109 = arith.constant 1 : i32
        scf.for %scan3A_123 = %scan3A_106 to %scan3A_108 step %scan3A_109  : i32 {
          %mul3A_124 = arith.constant 16 : i32
          %mul3A_125 = arith.muli %scan3A_123, %mul3A_124 : i32
          %get3A = arith.constant 0 : i32
          %get3A_126 = arith.constant 1 : i32
          %get3A_127 = arith.constant 0 : i32
          %get3A_128 = arith.index_cast %get3A : i32 to index
          %get3A_129 = arith.index_cast %get3A_126 : i32 to index
          %get3A_130 = arith.index_cast %get3A_127 : i32 to index
          %get3A_131 = arith.index_cast %mul3A_125 : i32 to index
          %get3A_132 = tpu.vector_load %arg4[%get3A_128, %get3A_129, %get3A_130, %get3A_131] {strides = array<i32>} : memref<2x5x3x1024xf32, #tpu.memory_space<vmem>>, vector<16xf32>,
          %get3A_133 = arith.constant 0 : i32
          %get3A_134 = arith.constant 2 : i32
          %get3A_135 = arith.constant 0 : i32
          %get3A_136 = arith.index_cast %get3A_133 : i32 to index
          %get3A_137 = arith.index_cast %get3A_134 : i32 to index
          %get3A_138 = arith.index_cast %get3A_135 : i32 to index
          %get3A_139 = arith.index_cast %mul3A_125 : i32 to index
          %get3A_140 = tpu.vector_load %arg4[%get3A_136, %get3A_137, %get3A_138, %get3A_139] {strides = array<i32>} : memref<2x5x3x1024xf32, #tpu.memory_space<vmem>>, vector<16xf32>,
          %get3A_141 = arith.constant 0 : i32
          %get3A_142 = arith.constant 3 : i32
          %get3A_143 = arith.constant 0 : i32
          %get3A_144 = arith.index_cast %get3A_141 : i32 to index
          %get3A_145 = arith.index_cast %get3A_142 : i32 to index
          %get3A_146 = arith.index_cast %get3A_143 : i32 to index
          %get3A_147 = arith.index_cast %mul3A_125 : i32 to index
          %get3A_148 = tpu.vector_load %arg4[%get3A_144, %get3A_145, %get3A_146, %get3A_147] {strides = array<i32>} : memref<2x5x3x1024xf32, #tpu.memory_space<vmem>>, vector<16xf32>,
          %get3A_149 = arith.constant 0 : i32
          %get3A_150 = arith.constant 0 : i32
          %get3A_151 = arith.constant 1 : i32
          %get3A_152 = arith.index_cast %get3A_149 : i32 to index
          %get3A_153 = arith.index_cast %get3A_150 : i32 to index
          %get3A_154 = arith.index_cast %get3A_151 : i32 to index
          %get3A_155 = arith.index_cast %mul3A_125 : i32 to index
          %get3A_156 = tpu.vector_load %arg4[%get3A_152, %get3A_153, %get3A_154, %get3A_155] {strides = array<i32>} : memref<2x5x3x1024xf32, #tpu.memory_space<vmem>>, vector<16xf32>,
          %get3A_157 = arith.constant 0 : i32
          %get3A_158 = arith.constant 1 : i32
          %get3A_159 = arith.constant 1 : i32
          %get3A_160 = arith.index_cast %get3A_157 : i32 to index
          %get3A_161 = arith.index_cast %get3A_158 : i32 to index
          %get3A_162 = arith.index_cast %get3A_159 : i32 to index
          %get3A_163 = arith.index_cast %mul3A_125 : i32 to index
          %get3A_164 = tpu.vector_load %arg4[%get3A_160, %get3A_161, %get3A_162, %get3A_163] {strides = array<i32>} : memref<2x5x3x1024xf32, #tpu.memory_space<vmem>>, vector<16xf32>,
          %get3A_165 = arith.constant 0 : i32
          %get3A_166 = arith.constant 2 : i32
          %get3A_167 = arith.constant 1 : i32
          %get3A_168 = arith.index_cast %get3A_165 : i32 to index
          %get3A_169 = arith.index_cast %get3A_166 : i32 to index
          %get3A_170 = arith.index_cast %get3A_167 : i32 to index
          %get3A_171 = arith.index_cast %mul3A_125 : i32 to index
          %get3A_172 = tpu.vector_load %arg4[%get3A_168, %get3A_169, %get3A_170, %get3A_171] {strides = array<i32>} : memref<2x5x3x1024xf32, #tpu.memory_space<vmem>>, vector<16xf32>,
          %get3A_173 = arith.constant 0 : i32
          %get3A_174 = arith.constant 3 : i32
          %get3A_175 = arith.constant 1 : i32
          %get3A_176 = arith.index_cast %get3A_173 : i32 to index
          %get3A_177 = arith.index_cast %get3A_174 : i32 to index
          %get3A_178 = arith.index_cast %get3A_175 : i32 to index
          %get3A_179 = arith.index_cast %mul3A_125 : i32 to index
          %get3A_180 = tpu.vector_load %arg4[%get3A_176, %get3A_177, %get3A_178, %get3A_179] {strides = array<i32>} : memref<2x5x3x1024xf32, #tpu.memory_space<vmem>>, vector<16xf32>,
          %get3A_181 = arith.constant 0 : i32
          %get3A_182 = arith.constant 4 : i32
          %get3A_183 = arith.constant 1 : i32
          %get3A_184 = arith.index_cast %get3A_181 : i32 to index
          %get3A_185 = arith.index_cast %get3A_182 : i32 to index
          %get3A_186 = arith.index_cast %get3A_183 : i32 to index
          %get3A_187 = arith.index_cast %mul3A_125 : i32 to index
          %get3A_188 = tpu.vector_load %arg4[%get3A_184, %get3A_185, %get3A_186, %get3A_187] {strides = array<i32>} : memref<2x5x3x1024xf32, #tpu.memory_space<vmem>>, vector<16xf32>,
          %get3A_189 = arith.constant 0 : i32
          %get3A_190 = arith.constant 0 : i32
          %get3A_191 = arith.constant 2 : i32
          %get3A_192 = arith.index_cast %get3A_189 : i32 to index
          %get3A_193 = arith.index_cast %get3A_190 : i32 to index
          %get3A_194 = arith.index_cast %get3A_191 : i32 to index
          %get3A_195 = arith.index_cast %mul3A_125 : i32 to index
          %get3A_196 = tpu.vector_load %arg4[%get3A_192, %get3A_193, %get3A_194, %get3A_195] {strides = array<i32>} : memref<2x5x3x1024xf32, #tpu.memory_space<vmem>>, vector<16xf32>,
          %get3A_197 = arith.constant 0 : i32
          %get3A_198 = arith.constant 1 : i32
          %get3A_199 = arith.constant 2 : i32
          %get3A_200 = arith.index_cast %get3A_197 : i32 to index
          %get3A_201 = arith.index_cast %get3A_198 : i32 to index
          %get3A_202 = arith.index_cast %get3A_199 : i32 to index
          %get3A_203 = arith.index_cast %mul3A_125 : i32 to index
          %get3A_204 = tpu.vector_load %arg4[%get3A_200, %get3A_201, %get3A_202, %get3A_203] {strides = array<i32>} : memref<2x5x3x1024xf32, #tpu.memory_space<vmem>>, vector<16xf32>,
          %get3A_205 = arith.constant 0 : i32
          %get3A_206 = arith.constant 2 : i32
          %get3A_207 = arith.constant 2 : i32
          %get3A_208 = arith.index_cast %get3A_205 : i32 to index
          %get3A_209 = arith.index_cast %get3A_206 : i32 to index
          %get3A_210 = arith.index_cast %get3A_207 : i32 to index
          %get3A_211 = arith.index_cast %mul3A_125 : i32 to index
          %get3A_212 = tpu.vector_load %arg4[%get3A_208, %get3A_209, %get3A_210, %get3A_211] {strides = array<i32>} : memref<2x5x3x1024xf32, #tpu.memory_space<vmem>>, vector<16xf32>,
          %get3A_213 = arith.constant 0 : i32
          %get3A_214 = arith.constant 3 : i32
          %get3A_215 = arith.constant 2 : i32
          %get3A_216 = arith.index_cast %get3A_213 : i32 to index
          %get3A_217 = arith.index_cast %get3A_214 : i32 to index
          %get3A_218 = arith.index_cast %get3A_215 : i32 to index
          %get3A_219 = arith.index_cast %mul3A_125 : i32 to index
          %get3A_220 = tpu.vector_load %arg4[%get3A_216, %get3A_217, %get3A_218, %get3A_219] {strides = array<i32>} : memref<2x5x3x1024xf32, #tpu.memory_space<vmem>>, vector<16xf32>,
          %get3A_221 = arith.constant 0 : i32
          %get3A_222 = arith.constant 4 : i32
          %get3A_223 = arith.constant 2 : i32
          %get3A_224 = arith.index_cast %get3A_221 : i32 to index
          %get3A_225 = arith.index_cast %get3A_222 : i32 to index
          %get3A_226 = arith.index_cast %get3A_223 : i32 to index
          %get3A_227 = arith.index_cast %mul3A_125 : i32 to index
          %get3A_228 = tpu.vector_load %arg4[%get3A_224, %get3A_225, %get3A_226, %get3A_227] {strides = array<i32>} : memref<2x5x3x1024xf32, #tpu.memory_space<vmem>>, vector<16xf32>,
          %min3A = arith.minimumf %get3A_132, %get3A_156 : vector<16xf32>
          %swap3A = arith.constant 0 : i32
          %swap3A_229 = arith.constant 0 : i32
          %swap3A_230 = arith.index_cast %swap3A : i32 to index
          %swap3A_231 = arith.index_cast %swap3A_229 : i32 to index
          %swap3A_232 = arith.index_cast %mul3A_125 : i32 to index
          %swap3A_233 = tpu.vector_load %arg5[%swap3A_230, %swap3A_231, %swap3A_232] {strides = array<i32>} : memref<2x32x1024xf32, #tpu.memory_space<vmem>>, vector<16xf32>,
          tpu.vector_store %arg5[%swap3A_230, %swap3A_231, %swap3A_232], %min3A {strides = array<i32>} : memref<2x32x1024xf32, #tpu.memory_space<vmem>>, vector<16xf32>,
          %min3A_234 = arith.minimumf %get3A_132, %get3A_164 : vector<16xf32>
          %swap3A_235 = arith.constant 0 : i32
          %swap3A_236 = arith.constant 1 : i32
          %swap3A_237 = arith.index_cast %swap3A_235 : i32 to index
          %swap3A_238 = arith.index_cast %swap3A_236 : i32 to index
          %swap3A_239 = arith.index_cast %mul3A_125 : i32 to index
          %swap3A_240 = tpu.vector_load %arg5[%swap3A_237, %swap3A_238, %swap3A_239] {strides = array<i32>} : memref<2x32x1024xf32, #tpu.memory_space<vmem>>, vector<16xf32>,
          tpu.vector_store %arg5[%swap3A_237, %swap3A_238, %swap3A_239], %min3A_234 {strides = array<i32>} : memref<2x32x1024xf32, #tpu.memory_space<vmem>>, vector<16xf32>,
          %min3A_241 = arith.minimumf %get3A_132, %get3A_172 : vector<16xf32>
          %swap3A_242 = arith.constant 0 : i32
          %swap3A_243 = arith.constant 2 : i32
          %swap3A_244 = arith.index_cast %swap3A_242 : i32 to index
          %swap3A_245 = arith.index_cast %swap3A_243 : i32 to index
          %swap3A_246 = arith.index_cast %mul3A_125 : i32 to index
          %swap3A_247 = tpu.vector_load %arg5[%swap3A_244, %swap3A_245, %swap3A_246] {strides = array<i32>} : memref<2x32x1024xf32, #tpu.memory_space<vmem>>, vector<16xf32>,
          tpu.vector_store %arg5[%swap3A_244, %swap3A_245, %swap3A_246], %min3A_241 {strides = array<i32>} : memref<2x32x1024xf32, #tpu.memory_space<vmem>>, vector<16xf32>,
          %min3A_248 = arith.minimumf %get3A_132, %get3A_180 : vector<16xf32>
          %swap3A_249 = arith.constant 0 : i32
          %swap3A_250 = arith.constant 3 : i32
          %swap3A_251 = arith.index_cast %swap3A_249 : i32 to index
          %swap3A_252 = arith.index_cast %swap3A_250 : i32 to index
          %swap3A_253 = arith.index_cast %mul3A_125 : i32 to index
          %swap3A_254 = tpu.vector_load %arg5[%swap3A_251, %swap3A_252, %swap3A_253] {strides = array<i32>} : memref<2x32x1024xf32, #tpu.memory_space<vmem>>, vector<16xf32>,
          tpu.vector_store %arg5[%swap3A_251, %swap3A_252, %swap3A_253], %min3A_248 {strides = array<i32>} : memref<2x32x1024xf32, #tpu.memory_space<vmem>>, vector<16xf32>,
          %min3A_255 = arith.minimumf %get3A_132, %get3A_188 : vector<16xf32>
          %swap3A_256 = arith.constant 0 : i32
          %swap3A_257 = arith.constant 4 : i32
          %swap3A_258 = arith.index_cast %swap3A_256 : i32 to index
          %swap3A_259 = arith.index_cast %swap3A_257 : i32 to index
          %swap3A_260 = arith.index_cast %mul3A_125 : i32 to index
          %swap3A_261 = tpu.vector_load %arg5[%swap3A_258, %swap3A_259, %swap3A_260] {strides = array<i32>} : memref<2x32x1024xf32, #tpu.memory_space<vmem>>, vector<16xf32>,
          tpu.vector_store %arg5[%swap3A_258, %swap3A_259, %swap3A_260], %min3A_255 {strides = array<i32>} : memref<2x32x1024xf32, #tpu.memory_space<vmem>>, vector<16xf32>,
          %min3A_262 = arith.minimumf %get3A_148, %get3A_188 : vector<16xf32>
          %swap3A_263 = arith.constant 0 : i32
          %swap3A_264 = arith.constant 5 : i32
          %swap3A_265 = arith.index_cast %swap3A_263 : i32 to index
          %swap3A_266 = arith.index_cast %swap3A_264 : i32 to index
          %swap3A_267 = arith.index_cast %mul3A_125 : i32 to index
          %swap3A_268 = tpu.vector_load %arg5[%swap3A_265, %swap3A_266, %swap3A_267] {strides = array<i32>} : memref<2x32x1024xf32, #tpu.memory_space<vmem>>, vector<16xf32>,
          tpu.vector_store %arg5[%swap3A_265, %swap3A_266, %swap3A_267], %min3A_262 {strides = array<i32>} : memref<2x32x1024xf32, #tpu.memory_space<vmem>>, vector<16xf32>,
          %min3A_269 = arith.minimumf %get3A_148, %get3A_180 : vector<16xf32>
          %swap3A_270 = arith.constant 0 : i32
          %swap3A_271 = arith.constant 6 : i32
          %swap3A_272 = arith.index_cast %swap3A_270 : i32 to index
          %swap3A_273 = arith.index_cast %swap3A_271 : i32 to index
          %swap3A_274 = arith.index_cast %mul3A_125 : i32 to index
          %swap3A_275 = tpu.vector_load %arg5[%swap3A_272, %swap3A_273, %swap3A_274] {strides = array<i32>} : memref<2x32x1024xf32, #tpu.memory_space<vmem>>, vector<16xf32>,
          tpu.vector_store %arg5[%swap3A_272, %swap3A_273, %swap3A_274], %min3A_269 {strides = array<i32>} : memref<2x32x1024xf32, #tpu.memory_space<vmem>>, vector<16xf32>,
          %min3A_276 = arith.minimumf %get3A_148, %get3A_172 : vector<16xf32>
          %swap3A_277 = arith.constant 0 : i32
          %swap3A_278 = arith.constant 7 : i32
          %swap3A_279 = arith.index_cast %swap3A_277 : i32 to index
          %swap3A_280 = arith.index_cast %swap3A_278 : i32 to index
          %swap3A_281 = arith.index_cast %mul3A_125 : i32 to index
          %swap3A_282 = tpu.vector_load %arg5[%swap3A_279, %swap3A_280, %swap3A_281] {strides = array<i32>} : memref<2x32x1024xf32, #tpu.memory_space<vmem>>, vector<16xf32>,
          tpu.vector_store %arg5[%swap3A_279, %swap3A_280, %swap3A_281], %min3A_276 {strides = array<i32>} : memref<2x32x1024xf32, #tpu.memory_space<vmem>>, vector<16xf32>,
          %min3A_283 = arith.minimumf %get3A_148, %get3A_164 : vector<16xf32>
          %swap3A_284 = arith.constant 0 : i32
          %swap3A_285 = arith.constant 8 : i32
          %swap3A_286 = arith.index_cast %swap3A_284 : i32 to index
          %swap3A_287 = arith.index_cast %swap3A_285 : i32 to index
          %swap3A_288 = arith.index_cast %mul3A_125 : i32 to index
          %swap3A_289 = tpu.vector_load %arg5[%swap3A_286, %swap3A_287, %swap3A_288] {strides = array<i32>} : memref<2x32x1024xf32, #tpu.memory_space<vmem>>, vector<16xf32>,
          tpu.vector_store %arg5[%swap3A_286, %swap3A_287, %swap3A_288], %min3A_283 {strides = array<i32>} : memref<2x32x1024xf32, #tpu.memory_space<vmem>>, vector<16xf32>,
          %min3A_290 = arith.minimumf %get3A_148, %get3A_156 : vector<16xf32>
          %swap3A_291 = arith.constant 0 : i32
          %swap3A_292 = arith.constant 9 : i32
          %swap3A_293 = arith.index_cast %swap3A_291 : i32 to index
          %swap3A_294 = arith.index_cast %swap3A_292 : i32 to index
          %swap3A_295 = arith.index_cast %mul3A_125 : i32 to index
          %swap3A_296 = tpu.vector_load %arg5[%swap3A_293, %swap3A_294, %swap3A_295] {strides = array<i32>} : memref<2x32x1024xf32, #tpu.memory_space<vmem>>, vector<16xf32>,
          tpu.vector_store %arg5[%swap3A_293, %swap3A_294, %swap3A_295], %min3A_290 {strides = array<i32>} : memref<2x32x1024xf32, #tpu.memory_space<vmem>>, vector<16xf32>,
          %min3A_297 = arith.minimumf %get3A_132, %get3A_196 : vector<16xf32>
          %swap3A_298 = arith.constant 0 : i32
          %swap3A_299 = arith.constant 10 : i32
          %swap3A_300 = arith.index_cast %swap3A_298 : i32 to index
          %swap3A_301 = arith.index_cast %swap3A_299 : i32 to index
          %swap3A_302 = arith.index_cast %mul3A_125 : i32 to index
          %swap3A_303 = tpu.vector_load %arg5[%swap3A_300, %swap3A_301, %swap3A_302] {strides = array<i32>} : memref<2x32x1024xf32, #tpu.memory_space<vmem>>, vector<16xf32>,
          tpu.vector_store %arg5[%swap3A_300, %swap3A_301, %swap3A_302], %min3A_297 {strides = array<i32>} : memref<2x32x1024xf32, #tpu.memory_space<vmem>>, vector<16xf32>,
          %min3A_304 = arith.minimumf %get3A_132, %get3A_204 : vector<16xf32>
          %swap3A_305 = arith.constant 0 : i32
          %swap3A_306 = arith.constant 11 : i32
          %swap3A_307 = arith.index_cast %swap3A_305 : i32 to index
          %swap3A_308 = arith.index_cast %swap3A_306 : i32 to index
          %swap3A_309 = arith.index_cast %mul3A_125 : i32 to index
          %swap3A_310 = tpu.vector_load %arg5[%swap3A_307, %swap3A_308, %swap3A_309] {strides = array<i32>} : memref<2x32x1024xf32, #tpu.memory_space<vmem>>, vector<16xf32>,
          tpu.vector_store %arg5[%swap3A_307, %swap3A_308, %swap3A_309], %min3A_304 {strides = array<i32>} : memref<2x32x1024xf32, #tpu.memory_space<vmem>>, vector<16xf32>,
          %min3A_311 = arith.minimumf %get3A_132, %get3A_212 : vector<16xf32>
          %swap3A_312 = arith.constant 0 : i32
          %swap3A_313 = arith.constant 12 : i32
          %swap3A_314 = arith.index_cast %swap3A_312 : i32 to index
          %swap3A_315 = arith.index_cast %swap3A_313 : i32 to index
          %swap3A_316 = arith.index_cast %mul3A_125 : i32 to index
          %swap3A_317 = tpu.vector_load %arg5[%swap3A_314, %swap3A_315, %swap3A_316] {strides = array<i32>} : memref<2x32x1024xf32, #tpu.memory_space<vmem>>, vector<16xf32>,
          tpu.vector_store %arg5[%swap3A_314, %swap3A_315, %swap3A_316], %min3A_311 {strides = array<i32>} : memref<2x32x1024xf32, #tpu.memory_space<vmem>>, vector<16xf32>,
          %min3A_318 = arith.minimumf %get3A_132, %get3A_220 : vector<16xf32>
          %swap3A_319 = arith.constant 0 : i32
          %swap3A_320 = arith.constant 13 : i32
          %swap3A_321 = arith.index_cast %swap3A_319 : i32 to index
          %swap3A_322 = arith.index_cast %swap3A_320 : i32 to index
          %swap3A_323 = arith.index_cast %mul3A_125 : i32 to index
          %swap3A_324 = tpu.vector_load %arg5[%swap3A_321, %swap3A_322, %swap3A_323] {strides = array<i32>} : memref<2x32x1024xf32, #tpu.memory_space<vmem>>, vector<16xf32>,
          tpu.vector_store %arg5[%swap3A_321, %swap3A_322, %swap3A_323], %min3A_318 {strides = array<i32>} : memref<2x32x1024xf32, #tpu.memory_space<vmem>>, vector<16xf32>,
          %min3A_325 = arith.minimumf %get3A_132, %get3A_228 : vector<16xf32>
          %swap3A_326 = arith.constant 0 : i32
          %swap3A_327 = arith.constant 14 : i32
          %swap3A_328 = arith.index_cast %swap3A_326 : i32 to index
          %swap3A_329 = arith.index_cast %swap3A_327 : i32 to index
          %swap3A_330 = arith.index_cast %mul3A_125 : i32 to index
          %swap3A_331 = tpu.vector_load %arg5[%swap3A_328, %swap3A_329, %swap3A_330] {strides = array<i32>} : memref<2x32x1024xf32, #tpu.memory_space<vmem>>, vector<16xf32>,
          tpu.vector_store %arg5[%swap3A_328, %swap3A_329, %swap3A_330], %min3A_325 {strides = array<i32>} : memref<2x32x1024xf32, #tpu.memory_space<vmem>>, vector<16xf32>,
          %min3A_332 = arith.minimumf %get3A_140, %get3A_196 : vector<16xf32>
          %swap3A_333 = arith.constant 0 : i32
          %swap3A_334 = arith.constant 15 : i32
          %swap3A_335 = arith.index_cast %swap3A_333 : i32 to index
          %swap3A_336 = arith.index_cast %swap3A_334 : i32 to index
          %swap3A_337 = arith.index_cast %mul3A_125 : i32 to index
          %swap3A_338 = tpu.vector_load %arg5[%swap3A_335, %swap3A_336, %swap3A_337] {strides = array<i32>} : memref<2x32x1024xf32, #tpu.memory_space<vmem>>, vector<16xf32>,
          tpu.vector_store %arg5[%swap3A_335, %swap3A_336, %swap3A_337], %min3A_332 {strides = array<i32>} : memref<2x32x1024xf32, #tpu.memory_space<vmem>>, vector<16xf32>,
          %min3A_339 = arith.minimumf %get3A_140, %get3A_204 : vector<16xf32>
          %swap3A_340 = arith.constant 0 : i32
          %swap3A_341 = arith.constant 16 : i32
          %swap3A_342 = arith.index_cast %swap3A_340 : i32 to index
          %swap3A_343 = arith.index_cast %swap3A_341 : i32 to index
          %swap3A_344 = arith.index_cast %mul3A_125 : i32 to index
          %swap3A_345 = tpu.vector_load %arg5[%swap3A_342, %swap3A_343, %swap3A_344] {strides = array<i32>} : memref<2x32x1024xf32, #tpu.memory_space<vmem>>, vector<16xf32>,
          tpu.vector_store %arg5[%swap3A_342, %swap3A_343, %swap3A_344], %min3A_339 {strides = array<i32>} : memref<2x32x1024xf32, #tpu.memory_space<vmem>>, vector<16xf32>,
          %min3A_346 = arith.minimumf %get3A_140, %get3A_212 : vector<16xf32>
          %swap3A_347 = arith.constant 0 : i32
          %swap3A_348 = arith.constant 17 : i32
          %swap3A_349 = arith.index_cast %swap3A_347 : i32 to index
          %swap3A_350 = arith.index_cast %swap3A_348 : i32 to index
          %swap3A_351 = arith.index_cast %mul3A_125 : i32 to index
          %swap3A_352 = tpu.vector_load %arg5[%swap3A_349, %swap3A_350, %swap3A_351] {strides = array<i32>} : memref<2x32x1024xf32, #tpu.memory_space<vmem>>, vector<16xf32>,
          tpu.vector_store %arg5[%swap3A_349, %swap3A_350, %swap3A_351], %min3A_346 {strides = array<i32>} : memref<2x32x1024xf32, #tpu.memory_space<vmem>>, vector<16xf32>,
          %min3A_353 = arith.minimumf %get3A_140, %get3A_220 : vector<16xf32>
          %swap3A_354 = arith.constant 0 : i32
          %swap3A_355 = arith.constant 18 : i32
          %swap3A_356 = arith.index_cast %swap3A_354 : i32 to index
          %swap3A_357 = arith.index_cast %swap3A_355 : i32 to index
          %swap3A_358 = arith.index_cast %mul3A_125 : i32 to index
          %swap3A_359 = tpu.vector_load %arg5[%swap3A_356, %swap3A_357, %swap3A_358] {strides = array<i32>} : memref<2x32x1024xf32, #tpu.memory_space<vmem>>, vector<16xf32>,
          tpu.vector_store %arg5[%swap3A_356, %swap3A_357, %swap3A_358], %min3A_353 {strides = array<i32>} : memref<2x32x1024xf32, #tpu.memory_space<vmem>>, vector<16xf32>,
          %min3A_360 = arith.minimumf %get3A_140, %get3A_228 : vector<16xf32>
          %swap3A_361 = arith.constant 0 : i32
          %swap3A_362 = arith.constant 19 : i32
          %swap3A_363 = arith.index_cast %swap3A_361 : i32 to index
          %swap3A_364 = arith.index_cast %swap3A_362 : i32 to index
          %swap3A_365 = arith.index_cast %mul3A_125 : i32 to index
          %swap3A_366 = tpu.vector_load %arg5[%swap3A_363, %swap3A_364, %swap3A_365] {strides = array<i32>} : memref<2x32x1024xf32, #tpu.memory_space<vmem>>, vector<16xf32>,
          tpu.vector_store %arg5[%swap3A_363, %swap3A_364, %swap3A_365], %min3A_360 {strides = array<i32>} : memref<2x32x1024xf32, #tpu.memory_space<vmem>>, vector<16xf32>,
          %min3A_367 = arith.minimumf %get3A_148, %get3A_196 : vector<16xf32>
          %swap3A_368 = arith.constant 0 : i32
          %swap3A_369 = arith.constant 20 : i32
          %swap3A_370 = arith.index_cast %swap3A_368 : i32 to index
          %swap3A_371 = arith.index_cast %swap3A_369 : i32 to index
          %swap3A_372 = arith.index_cast %mul3A_125 : i32 to index
          %swap3A_373 = tpu.vector_load %arg5[%swap3A_370, %swap3A_371, %swap3A_372] {strides = array<i32>} : memref<2x32x1024xf32, #tpu.memory_space<vmem>>, vector<16xf32>,
          tpu.vector_store %arg5[%swap3A_370, %swap3A_371, %swap3A_372], %min3A_367 {strides = array<i32>} : memref<2x32x1024xf32, #tpu.memory_space<vmem>>, vector<16xf32>,
          %min3A_374 = arith.minimumf %get3A_148, %get3A_204 : vector<16xf32>
          %swap3A_375 = arith.constant 0 : i32
          %swap3A_376 = arith.constant 21 : i32
          %swap3A_377 = arith.index_cast %swap3A_375 : i32 to index
          %swap3A_378 = arith.index_cast %swap3A_376 : i32 to index
          %swap3A_379 = arith.index_cast %mul3A_125 : i32 to index
          %swap3A_380 = tpu.vector_load %arg5[%swap3A_377, %swap3A_378, %swap3A_379] {strides = array<i32>} : memref<2x32x1024xf32, #tpu.memory_space<vmem>>, vector<16xf32>,
          tpu.vector_store %arg5[%swap3A_377, %swap3A_378, %swap3A_379], %min3A_374 {strides = array<i32>} : memref<2x32x1024xf32, #tpu.memory_space<vmem>>, vector<16xf32>,
          %min3A_381 = arith.minimumf %get3A_148, %get3A_212 : vector<16xf32>
          %swap3A_382 = arith.constant 0 : i32
          %swap3A_383 = arith.constant 22 : i32
          %swap3A_384 = arith.index_cast %swap3A_382 : i32 to index
          %swap3A_385 = arith.index_cast %swap3A_383 : i32 to index
          %swap3A_386 = arith.index_cast %mul3A_125 : i32 to index
          %swap3A_387 = tpu.vector_load %arg5[%swap3A_384, %swap3A_385, %swap3A_386] {strides = array<i32>} : memref<2x32x1024xf32, #tpu.memory_space<vmem>>, vector<16xf32>,
          tpu.vector_store %arg5[%swap3A_384, %swap3A_385, %swap3A_386], %min3A_381 {strides = array<i32>} : memref<2x32x1024xf32, #tpu.memory_space<vmem>>, vector<16xf32>,
          %min3A_388 = arith.minimumf %get3A_148, %get3A_220 : vector<16xf32>
          %swap3A_389 = arith.constant 0 : i32
          %swap3A_390 = arith.constant 23 : i32
          %swap3A_391 = arith.index_cast %swap3A_389 : i32 to index
          %swap3A_392 = arith.index_cast %swap3A_390 : i32 to index
          %swap3A_393 = arith.index_cast %mul3A_125 : i32 to index
          %swap3A_394 = tpu.vector_load %arg5[%swap3A_391, %swap3A_392, %swap3A_393] {strides = array<i32>} : memref<2x32x1024xf32, #tpu.memory_space<vmem>>, vector<16xf32>,
          tpu.vector_store %arg5[%swap3A_391, %swap3A_392, %swap3A_393], %min3A_388 {strides = array<i32>} : memref<2x32x1024xf32, #tpu.memory_space<vmem>>, vector<16xf32>,
          %min3A_395 = arith.minimumf %get3A_148, %get3A_228 : vector<16xf32>
          %swap3A_396 = arith.constant 0 : i32
          %swap3A_397 = arith.constant 24 : i32
          %swap3A_398 = arith.index_cast %swap3A_396 : i32 to index
          %swap3A_399 = arith.index_cast %swap3A_397 : i32 to index
          %swap3A_400 = arith.index_cast %mul3A_125 : i32 to index
          %swap3A_401 = tpu.vector_load %arg5[%swap3A_398, %swap3A_399, %swap3A_400] {strides = array<i32>} : memref<2x32x1024xf32, #tpu.memory_space<vmem>>, vector<16xf32>,
          tpu.vector_store %arg5[%swap3A_398, %swap3A_399, %swap3A_400], %min3A_395 {strides = array<i32>} : memref<2x32x1024xf32, #tpu.memory_space<vmem>>, vector<16xf32>,
        }
        %scan3A_110 = arith.constant 64 : i32
        %dma_start3A = arith.constant 0 : i32
        %dma_start3A_111 = arith.constant 0 : i32
        %dma_start3A_112 = arith.constant 0 : i32
        %dma_start3A_113 = tpu.memref_slice %arg5[%dma_start3A, %dma_start3A_111, %dma_start3A_112] : memref<2x32x1024xf32, #tpu.memory_space<vmem>> -> memref<1x32x1024xf32, #tpu.memory_space<vmem>>
        %dma_start3A_114 = tpu.memref_squeeze %dma_start3A_113 : memref<1x32x1024xf32, #tpu.memory_space<vmem>> -> memref<32x1024xf32, #tpu.memory_space<vmem>>
        %dma_start3A_115 = arith.constant 0 : i32
        %dma_start3A_116 = tpu.memref_slice %arg3[%dma_start3A_115, %multiple_of3A] : memref<32x1000000xf32, #tpu.memory_space<hbm>> -> memref<32x1024xf32, #tpu.memory_space<hbm>>
        %dma_start3A_117 = arith.constant 0 : i32
        %dma_start3A_118 = tpu.memref_slice %arg3[%dma_start3A_117, %multiple_of3A] : memref<32x1000000xf32, #tpu.memory_space<hbm>> -> memref<32x1024xf32, #tpu.memory_space<hbm>>
        %dma_start3A_119 = arith.constant 0 : i32
        %dma_start3A_120 = arith.constant 0 : i32
        %dma_start3A_121 = tpu.memref_slice %arg5[%dma_start3A, %dma_start3A_119, %dma_start3A_120] : memref<2x32x1024xf32, #tpu.memory_space<vmem>> -> memref<1x32x1024xf32, #tpu.memory_space<vmem>>
        %dma_start3A_122 = tpu.memref_squeeze %dma_start3A_121 : memref<1x32x1024xf32, #tpu.memory_space<vmem>> -> memref<32x1024xf32, #tpu.memory_space<vmem>>
        tpu.enqueue_dma source(%dma_start3A_122 : memref<32x1024xf32, #tpu.memory_space<vmem>>) target(%dma_start3A_118 : memref<32x1024xf32, #tpu.memory_space<hbm>>) target_semaphore(%arg8 : memref<!tpu.dma_semaphore, #tpu.memory_space<semaphore_mem>>)
      } else {
      }
      %add3A_47 = arith.constant 2 : i32
      %add3A_48 = arith.addi %mul3A_33, %add3A_47 : i32
      %mul3A_49 = arith.constant 32 : i32
      %mul3A_50 = arith.muli %add3A_48, %mul3A_49 : i32
      %add3A_51 = arith.addi %mul3A_50, %add3A : i32
      %lt3A_52 = arith.constant 976 : i32
      %lt3A_53 = arith.cmpi slt, %add3A_51, %lt3A_52 : i32
      %convert_element_type3A_54 = arith.extui %lt3A_53 : i1 to i32
      %cond3A_55 = arith.constant 0 : i32
      %cond3A_56 = arith.cmpi ne, %convert_element_type3A_54, %cond3A_55 : i32
      scf.if %cond3A_56 {
        %mul3A_85 = arith.constant 32 : i32
        %mul3A_86 = arith.muli %add3A_48, %mul3A_85 : i32
        %add3A_87 = arith.addi %mul3A_86, %add3A : i32
        %mul3A_88 = arith.constant 1024 : i32
        %mul3A_89 = arith.muli %add3A_87, %mul3A_88 : i32
        %multiple_of3A_90 = tpu.assume_multiple %mul3A_89, 128 : i32
        %dma_start3A = arith.constant 0 : i32
        %dma_start3A_91 = arith.constant 0 : i32
        %dma_start3A_92 = arith.constant 0 : i32
        %dma_start3A_93 = arith.constant 0 : i32
        %dma_start3A_94 = tpu.memref_slice %arg4[%dma_start3A, %dma_start3A_91, %dma_start3A_92, %dma_start3A_93] : memref<2x5x3x1024xf32, #tpu.memory_space<vmem>> -> memref<1x5x3x1024xf32, #tpu.memory_space<vmem>>
        %dma_start3A_95 = tpu.memref_squeeze %dma_start3A_94 : memref<1x5x3x1024xf32, #tpu.memory_space<vmem>> -> memref<5x3x1024xf32, #tpu.memory_space<vmem>>
        %dma_start3A_96 = arith.constant 0 : i32
        %dma_start3A_97 = arith.constant 0 : i32
        %dma_start3A_98 = tpu.memref_slice %arg2[%dma_start3A_96, %dma_start3A_97, %multiple_of3A_90] : memref<5x3x1000000xf32, #tpu.memory_space<hbm>> -> memref<5x3x1024xf32, #tpu.memory_space<hbm>>
        %dma_start3A_99 = arith.constant 0 : i32
        %dma_start3A_100 = arith.constant 0 : i32
        %dma_start3A_101 = arith.constant 0 : i32
        %dma_start3A_102 = tpu.memref_slice %arg4[%dma_start3A, %dma_start3A_99, %dma_start3A_100, %dma_start3A_101] : memref<2x5x3x1024xf32, #tpu.memory_space<vmem>> -> memref<1x5x3x1024xf32, #tpu.memory_space<vmem>>
        %dma_start3A_103 = tpu.memref_squeeze %dma_start3A_102 : memref<1x5x3x1024xf32, #tpu.memory_space<vmem>> -> memref<5x3x1024xf32, #tpu.memory_space<vmem>>
        %dma_start3A_104 = arith.constant 0 : i32
        %dma_start3A_105 = arith.constant 0 : i32
        %dma_start3A_106 = tpu.memref_slice %arg2[%dma_start3A_104, %dma_start3A_105, %multiple_of3A_90] : memref<5x3x1000000xf32, #tpu.memory_space<hbm>> -> memref<5x3x1024xf32, #tpu.memory_space<hbm>>
        tpu.enqueue_dma source(%dma_start3A_106 : memref<5x3x1024xf32, #tpu.memory_space<hbm>>) target(%dma_start3A_103 : memref<5x3x1024xf32, #tpu.memory_space<vmem>>) target_semaphore(%arg6 : memref<!tpu.dma_semaphore, #tpu.memory_space<semaphore_mem>>)
      } else {
      }
      %mul3A_57 = arith.constant 2 : i32
      %mul3A_58 = arith.muli %mul3A_57, %scan3A_31 : i32
      %add3A_59 = arith.constant 1 : i32
      %add3A_60 = arith.addi %mul3A_58, %add3A_59 : i32
      %mul3A_61 = arith.constant 32 : i32
      %mul3A_62 = arith.muli %add3A_60, %mul3A_61 : i32
      %add3A_63 = arith.addi %mul3A_62, %add3A : i32
      %mul3A_64 = arith.constant 32 : i32
      %mul3A_65 = arith.muli %add3A_60, %mul3A_64 : i32
      %add3A_66 = arith.addi %mul3A_65, %add3A : i32
      %mul3A_67 = arith.constant 1024 : i32
      %mul3A_68 = arith.muli %add3A_66, %mul3A_67 : i32
      %multiple_of3A_69 = tpu.assume_multiple %mul3A_68, 128 : i32
      %lt3A_70 = arith.constant 976 : i32
      %lt3A_71 = arith.cmpi slt, %add3A_63, %lt3A_70 : i32
      %convert_element_type3A_72 = arith.extui %lt3A_71 : i1 to i32
      %cond3A_73 = arith.constant 0 : i32
      %cond3A_74 = arith.cmpi ne, %convert_element_type3A_72, %cond3A_73 : i32
      scf.if %cond3A_74 {
        %dma_wait3A = arith.constant 1 : i32
        %dma_wait3A_85 = arith.constant 0 : i32
        %dma_wait3A_86 = arith.constant 0 : i32
        %dma_wait3A_87 = arith.constant 0 : i32
        %dma_wait3A_88 = tpu.memref_slice %arg4[%dma_wait3A, %dma_wait3A_85, %dma_wait3A_86, %dma_wait3A_87] : memref<2x5x3x1024xf32, #tpu.memory_space<vmem>> -> memref<1x5x3x1024xf32, #tpu.memory_space<vmem>>
        %dma_wait3A_89 = tpu.memref_squeeze %dma_wait3A_88 : memref<1x5x3x1024xf32, #tpu.memory_space<vmem>> -> memref<5x3x1024xf32, #tpu.memory_space<vmem>>
        %dma_wait3A_90 = arith.constant 0 : i32
        %dma_wait3A_91 = arith.constant 0 : i32
        %dma_wait3A_92 = tpu.memref_slice %arg2[%dma_wait3A_90, %dma_wait3A_91, %multiple_of3A_69] : memref<5x3x1000000xf32, #tpu.memory_space<hbm>> -> memref<5x3x1024xf32, #tpu.memory_space<hbm>>
        %dma_wait3A_93 = arith.constant 0 : i32
        %dma_wait3A_94 = arith.constant 0 : i32
        %dma_wait3A_95 = arith.constant 0 : i32
        %dma_wait3A_96 = tpu.memref_slice %arg4[%dma_wait3A, %dma_wait3A_93, %dma_wait3A_94, %dma_wait3A_95] : memref<2x5x3x1024xf32, #tpu.memory_space<vmem>> -> memref<1x5x3x1024xf32, #tpu.memory_space<vmem>>
        %dma_wait3A_97 = tpu.memref_squeeze %dma_wait3A_96 : memref<1x5x3x1024xf32, #tpu.memory_space<vmem>> -> memref<5x3x1024xf32, #tpu.memory_space<vmem>>
        %dma_wait3A_98 = arith.constant 0 : i32
        %dma_wait3A_99 = arith.constant 0 : i32
        %dma_wait3A_100 = tpu.memref_slice %arg2[%dma_wait3A_98, %dma_wait3A_99, %multiple_of3A_69] : memref<5x3x1000000xf32, #tpu.memory_space<hbm>> -> memref<5x3x1024xf32, #tpu.memory_space<hbm>>
        tpu.wait_dma2 semaphore(%arg7 : memref<!tpu.dma_semaphore, #tpu.memory_space<semaphore_mem>>) src(%dma_wait3A_100 : memref<5x3x1024xf32, #tpu.memory_space<hbm>>) dst(%dma_wait3A_97 : memref<5x3x1024xf32, #tpu.memory_space<vmem>>)
        %ge3A = arith.constant 64 : i32
        %ge3A_101 = arith.cmpi sge, %add3A_63, %ge3A : i32
        %convert_element_type3A_102 = arith.extui %ge3A_101 : i1 to i32
        %cond3A_103 = arith.constant 0 : i32
        %cond3A_104 = arith.cmpi ne, %convert_element_type3A_102, %cond3A_103 : i32
        scf.if %cond3A_104 {
          %dma_wait3A_123 = arith.constant 1 : i32
          %dma_wait3A_124 = arith.constant 0 : i32
          %dma_wait3A_125 = arith.constant 0 : i32
          %dma_wait3A_126 = tpu.memref_slice %arg5[%dma_wait3A_123, %dma_wait3A_124, %dma_wait3A_125] : memref<2x32x1024xf32, #tpu.memory_space<vmem>> -> memref<1x32x1024xf32, #tpu.memory_space<vmem>>
          %dma_wait3A_127 = tpu.memref_squeeze %dma_wait3A_126 : memref<1x32x1024xf32, #tpu.memory_space<vmem>> -> memref<32x1024xf32, #tpu.memory_space<vmem>>
          %dma_wait3A_128 = arith.constant 0 : i32
          %dma_wait3A_129 = tpu.memref_slice %arg3[%dma_wait3A_128, %multiple_of3A_69] : memref<32x1000000xf32, #tpu.memory_space<hbm>> -> memref<32x1024xf32, #tpu.memory_space<hbm>>
          %dma_wait3A_130 = arith.constant 0 : i32
          %dma_wait3A_131 = tpu.memref_slice %arg3[%dma_wait3A_130, %multiple_of3A_69] : memref<32x1000000xf32, #tpu.memory_space<hbm>> -> memref<32x1024xf32, #tpu.memory_space<hbm>>
          %dma_wait3A_132 = arith.constant 0 : i32
          %dma_wait3A_133 = arith.constant 0 : i32
          %dma_wait3A_134 = tpu.memref_slice %arg5[%dma_wait3A_123, %dma_wait3A_132, %dma_wait3A_133] : memref<2x32x1024xf32, #tpu.memory_space<vmem>> -> memref<1x32x1024xf32, #tpu.memory_space<vmem>>
          %dma_wait3A_135 = tpu.memref_squeeze %dma_wait3A_134 : memref<1x32x1024xf32, #tpu.memory_space<vmem>> -> memref<32x1024xf32, #tpu.memory_space<vmem>>
          tpu.wait_dma2 semaphore(%arg9 : memref<!tpu.dma_semaphore, #tpu.memory_space<semaphore_mem>>) src(%dma_wait3A_135 : memref<32x1024xf32, #tpu.memory_space<vmem>>) dst(%dma_wait3A_131 : memref<32x1024xf32, #tpu.memory_space<hbm>>)
        } else {
        }
        %scan3A_105 = arith.constant 0 : i32
        %scan3A_106 = arith.constant 0 : i32
        %scan3A_107 = arith.constant 64 : i32
        %scan3A_108 = arith.addi %scan3A_106, %scan3A_107 : i32
        %scan3A_109 = arith.constant 1 : i32
        scf.for %scan3A_123 = %scan3A_106 to %scan3A_108 step %scan3A_109  : i32 {
          %mul3A_124 = arith.constant 16 : i32
          %mul3A_125 = arith.muli %scan3A_123, %mul3A_124 : i32
          %get3A = arith.constant 1 : i32
          %get3A_126 = arith.constant 1 : i32
          %get3A_127 = arith.constant 0 : i32
          %get3A_128 = arith.index_cast %get3A : i32 to index
          %get3A_129 = arith.index_cast %get3A_126 : i32 to index
          %get3A_130 = arith.index_cast %get3A_127 : i32 to index
          %get3A_131 = arith.index_cast %mul3A_125 : i32 to index
          %get3A_132 = tpu.vector_load %arg4[%get3A_128, %get3A_129, %get3A_130, %get3A_131] {strides = array<i32>} : memref<2x5x3x1024xf32, #tpu.memory_space<vmem>>, vector<16xf32>,
          %get3A_133 = arith.constant 1 : i32
          %get3A_134 = arith.constant 2 : i32
          %get3A_135 = arith.constant 0 : i32
          %get3A_136 = arith.index_cast %get3A_133 : i32 to index
          %get3A_137 = arith.index_cast %get3A_134 : i32 to index
          %get3A_138 = arith.index_cast %get3A_135 : i32 to index
          %get3A_139 = arith.index_cast %mul3A_125 : i32 to index
          %get3A_140 = tpu.vector_load %arg4[%get3A_136, %get3A_137, %get3A_138, %get3A_139] {strides = array<i32>} : memref<2x5x3x1024xf32, #tpu.memory_space<vmem>>, vector<16xf32>,
          %get3A_141 = arith.constant 1 : i32
          %get3A_142 = arith.constant 3 : i32
          %get3A_143 = arith.constant 0 : i32
          %get3A_144 = arith.index_cast %get3A_141 : i32 to index
          %get3A_145 = arith.index_cast %get3A_142 : i32 to index
          %get3A_146 = arith.index_cast %get3A_143 : i32 to index
          %get3A_147 = arith.index_cast %mul3A_125 : i32 to index
          %get3A_148 = tpu.vector_load %arg4[%get3A_144, %get3A_145, %get3A_146, %get3A_147] {strides = array<i32>} : memref<2x5x3x1024xf32, #tpu.memory_space<vmem>>, vector<16xf32>,
          %get3A_149 = arith.constant 1 : i32
          %get3A_150 = arith.constant 0 : i32
          %get3A_151 = arith.constant 1 : i32
          %get3A_152 = arith.index_cast %get3A_149 : i32 to index
          %get3A_153 = arith.index_cast %get3A_150 : i32 to index
          %get3A_154 = arith.index_cast %get3A_151 : i32 to index
          %get3A_155 = arith.index_cast %mul3A_125 : i32 to index
          %get3A_156 = tpu.vector_load %arg4[%get3A_152, %get3A_153, %get3A_154, %get3A_155] {strides = array<i32>} : memref<2x5x3x1024xf32, #tpu.memory_space<vmem>>, vector<16xf32>,
          %get3A_157 = arith.constant 1 : i32
          %get3A_158 = arith.constant 1 : i32
          %get3A_159 = arith.constant 1 : i32
          %get3A_160 = arith.index_cast %get3A_157 : i32 to index
          %get3A_161 = arith.index_cast %get3A_158 : i32 to index
          %get3A_162 = arith.index_cast %get3A_159 : i32 to index
          %get3A_163 = arith.index_cast %mul3A_125 : i32 to index
          %get3A_164 = tpu.vector_load %arg4[%get3A_160, %get3A_161, %get3A_162, %get3A_163] {strides = array<i32>} : memref<2x5x3x1024xf32, #tpu.memory_space<vmem>>, vector<16xf32>,
          %get3A_165 = arith.constant 1 : i32
          %get3A_166 = arith.constant 2 : i32
          %get3A_167 = arith.constant 1 : i32
          %get3A_168 = arith.index_cast %get3A_165 : i32 to index
          %get3A_169 = arith.index_cast %get3A_166 : i32 to index
          %get3A_170 = arith.index_cast %get3A_167 : i32 to index
          %get3A_171 = arith.index_cast %mul3A_125 : i32 to index
          %get3A_172 = tpu.vector_load %arg4[%get3A_168, %get3A_169, %get3A_170, %get3A_171] {strides = array<i32>} : memref<2x5x3x1024xf32, #tpu.memory_space<vmem>>, vector<16xf32>,
          %get3A_173 = arith.constant 1 : i32
          %get3A_174 = arith.constant 3 : i32
          %get3A_175 = arith.constant 1 : i32
          %get3A_176 = arith.index_cast %get3A_173 : i32 to index
          %get3A_177 = arith.index_cast %get3A_174 : i32 to index
          %get3A_178 = arith.index_cast %get3A_175 : i32 to index
          %get3A_179 = arith.index_cast %mul3A_125 : i32 to index
          %get3A_180 = tpu.vector_load %arg4[%get3A_176, %get3A_177, %get3A_178, %get3A_179] {strides = array<i32>} : memref<2x5x3x1024xf32, #tpu.memory_space<vmem>>, vector<16xf32>,
          %get3A_181 = arith.constant 1 : i32
          %get3A_182 = arith.constant 4 : i32
          %get3A_183 = arith.constant 1 : i32
          %get3A_184 = arith.index_cast %get3A_181 : i32 to index
          %get3A_185 = arith.index_cast %get3A_182 : i32 to index
          %get3A_186 = arith.index_cast %get3A_183 : i32 to index
          %get3A_187 = arith.index_cast %mul3A_125 : i32 to index
          %get3A_188 = tpu.vector_load %arg4[%get3A_184, %get3A_185, %get3A_186, %get3A_187] {strides = array<i32>} : memref<2x5x3x1024xf32, #tpu.memory_space<vmem>>, vector<16xf32>,
          %get3A_189 = arith.constant 1 : i32
          %get3A_190 = arith.constant 0 : i32
          %get3A_191 = arith.constant 2 : i32
          %get3A_192 = arith.index_cast %get3A_189 : i32 to index
          %get3A_193 = arith.index_cast %get3A_190 : i32 to index
          %get3A_194 = arith.index_cast %get3A_191 : i32 to index
          %get3A_195 = arith.index_cast %mul3A_125 : i32 to index
          %get3A_196 = tpu.vector_load %arg4[%get3A_192, %get3A_193, %get3A_194, %get3A_195] {strides = array<i32>} : memref<2x5x3x1024xf32, #tpu.memory_space<vmem>>, vector<16xf32>,
          %get3A_197 = arith.constant 1 : i32
          %get3A_198 = arith.constant 1 : i32
          %get3A_199 = arith.constant 2 : i32
          %get3A_200 = arith.index_cast %get3A_197 : i32 to index
          %get3A_201 = arith.index_cast %get3A_198 : i32 to index
          %get3A_202 = arith.index_cast %get3A_199 : i32 to index
          %get3A_203 = arith.index_cast %mul3A_125 : i32 to index
          %get3A_204 = tpu.vector_load %arg4[%get3A_200, %get3A_201, %get3A_202, %get3A_203] {strides = array<i32>} : memref<2x5x3x1024xf32, #tpu.memory_space<vmem>>, vector<16xf32>,
          %get3A_205 = arith.constant 1 : i32
          %get3A_206 = arith.constant 2 : i32
          %get3A_207 = arith.constant 2 : i32
          %get3A_208 = arith.index_cast %get3A_205 : i32 to index
          %get3A_209 = arith.index_cast %get3A_206 : i32 to index
          %get3A_210 = arith.index_cast %get3A_207 : i32 to index
          %get3A_211 = arith.index_cast %mul3A_125 : i32 to index
          %get3A_212 = tpu.vector_load %arg4[%get3A_208, %get3A_209, %get3A_210, %get3A_211] {strides = array<i32>} : memref<2x5x3x1024xf32, #tpu.memory_space<vmem>>, vector<16xf32>,
          %get3A_213 = arith.constant 1 : i32
          %get3A_214 = arith.constant 3 : i32
          %get3A_215 = arith.constant 2 : i32
          %get3A_216 = arith.index_cast %get3A_213 : i32 to index
          %get3A_217 = arith.index_cast %get3A_214 : i32 to index
          %get3A_218 = arith.index_cast %get3A_215 : i32 to index
          %get3A_219 = arith.index_cast %mul3A_125 : i32 to index
          %get3A_220 = tpu.vector_load %arg4[%get3A_216, %get3A_217, %get3A_218, %get3A_219] {strides = array<i32>} : memref<2x5x3x1024xf32, #tpu.memory_space<vmem>>, vector<16xf32>,
          %get3A_221 = arith.constant 1 : i32
          %get3A_222 = arith.constant 4 : i32
          %get3A_223 = arith.constant 2 : i32
          %get3A_224 = arith.index_cast %get3A_221 : i32 to index
          %get3A_225 = arith.index_cast %get3A_222 : i32 to index
          %get3A_226 = arith.index_cast %get3A_223 : i32 to index
          %get3A_227 = arith.index_cast %mul3A_125 : i32 to index
          %get3A_228 = tpu.vector_load %arg4[%get3A_224, %get3A_225, %get3A_226, %get3A_227] {strides = array<i32>} : memref<2x5x3x1024xf32, #tpu.memory_space<vmem>>, vector<16xf32>,
          %min3A = arith.minimumf %get3A_132, %get3A_156 : vector<16xf32>
          %swap3A = arith.constant 1 : i32
          %swap3A_229 = arith.constant 0 : i32
          %swap3A_230 = arith.index_cast %swap3A : i32 to index
          %swap3A_231 = arith.index_cast %swap3A_229 : i32 to index
          %swap3A_232 = arith.index_cast %mul3A_125 : i32 to index
          %swap3A_233 = tpu.vector_load %arg5[%swap3A_230, %swap3A_231, %swap3A_232] {strides = array<i32>} : memref<2x32x1024xf32, #tpu.memory_space<vmem>>, vector<16xf32>,
          tpu.vector_store %arg5[%swap3A_230, %swap3A_231, %swap3A_232], %min3A {strides = array<i32>} : memref<2x32x1024xf32, #tpu.memory_space<vmem>>, vector<16xf32>,
          %min3A_234 = arith.minimumf %get3A_132, %get3A_164 : vector<16xf32>
          %swap3A_235 = arith.constant 1 : i32
          %swap3A_236 = arith.constant 1 : i32
          %swap3A_237 = arith.index_cast %swap3A_235 : i32 to index
          %swap3A_238 = arith.index_cast %swap3A_236 : i32 to index
          %swap3A_239 = arith.index_cast %mul3A_125 : i32 to index
          %swap3A_240 = tpu.vector_load %arg5[%swap3A_237, %swap3A_238, %swap3A_239] {strides = array<i32>} : memref<2x32x1024xf32, #tpu.memory_space<vmem>>, vector<16xf32>,
          tpu.vector_store %arg5[%swap3A_237, %swap3A_238, %swap3A_239], %min3A_234 {strides = array<i32>} : memref<2x32x1024xf32, #tpu.memory_space<vmem>>, vector<16xf32>,
          %min3A_241 = arith.minimumf %get3A_132, %get3A_172 : vector<16xf32>
          %swap3A_242 = arith.constant 1 : i32
          %swap3A_243 = arith.constant 2 : i32
          %swap3A_244 = arith.index_cast %swap3A_242 : i32 to index
          %swap3A_245 = arith.index_cast %swap3A_243 : i32 to index
          %swap3A_246 = arith.index_cast %mul3A_125 : i32 to index
          %swap3A_247 = tpu.vector_load %arg5[%swap3A_244, %swap3A_245, %swap3A_246] {strides = array<i32>} : memref<2x32x1024xf32, #tpu.memory_space<vmem>>, vector<16xf32>,
          tpu.vector_store %arg5[%swap3A_244, %swap3A_245, %swap3A_246], %min3A_241 {strides = array<i32>} : memref<2x32x1024xf32, #tpu.memory_space<vmem>>, vector<16xf32>,
          %min3A_248 = arith.minimumf %get3A_132, %get3A_180 : vector<16xf32>
          %swap3A_249 = arith.constant 1 : i32
          %swap3A_250 = arith.constant 3 : i32
          %swap3A_251 = arith.index_cast %swap3A_249 : i32 to index
          %swap3A_252 = arith.index_cast %swap3A_250 : i32 to index
          %swap3A_253 = arith.index_cast %mul3A_125 : i32 to index
          %swap3A_254 = tpu.vector_load %arg5[%swap3A_251, %swap3A_252, %swap3A_253] {strides = array<i32>} : memref<2x32x1024xf32, #tpu.memory_space<vmem>>, vector<16xf32>,
          tpu.vector_store %arg5[%swap3A_251, %swap3A_252, %swap3A_253], %min3A_248 {strides = array<i32>} : memref<2x32x1024xf32, #tpu.memory_space<vmem>>, vector<16xf32>,
          %min3A_255 = arith.minimumf %get3A_132, %get3A_188 : vector<16xf32>
          %swap3A_256 = arith.constant 1 : i32
          %swap3A_257 = arith.constant 4 : i32
          %swap3A_258 = arith.index_cast %swap3A_256 : i32 to index
          %swap3A_259 = arith.index_cast %swap3A_257 : i32 to index
          %swap3A_260 = arith.index_cast %mul3A_125 : i32 to index
          %swap3A_261 = tpu.vector_load %arg5[%swap3A_258, %swap3A_259, %swap3A_260] {strides = array<i32>} : memref<2x32x1024xf32, #tpu.memory_space<vmem>>, vector<16xf32>,
          tpu.vector_store %arg5[%swap3A_258, %swap3A_259, %swap3A_260], %min3A_255 {strides = array<i32>} : memref<2x32x1024xf32, #tpu.memory_space<vmem>>, vector<16xf32>,
          %min3A_262 = arith.minimumf %get3A_148, %get3A_188 : vector<16xf32>
          %swap3A_263 = arith.constant 1 : i32
          %swap3A_264 = arith.constant 5 : i32
          %swap3A_265 = arith.index_cast %swap3A_263 : i32 to index
          %swap3A_266 = arith.index_cast %swap3A_264 : i32 to index
          %swap3A_267 = arith.index_cast %mul3A_125 : i32 to index
          %swap3A_268 = tpu.vector_load %arg5[%swap3A_265, %swap3A_266, %swap3A_267] {strides = array<i32>} : memref<2x32x1024xf32, #tpu.memory_space<vmem>>, vector<16xf32>,
          tpu.vector_store %arg5[%swap3A_265, %swap3A_266, %swap3A_267], %min3A_262 {strides = array<i32>} : memref<2x32x1024xf32, #tpu.memory_space<vmem>>, vector<16xf32>,
          %min3A_269 = arith.minimumf %get3A_148, %get3A_180 : vector<16xf32>
          %swap3A_270 = arith.constant 1 : i32
          %swap3A_271 = arith.constant 6 : i32
          %swap3A_272 = arith.index_cast %swap3A_270 : i32 to index
          %swap3A_273 = arith.index_cast %swap3A_271 : i32 to index
          %swap3A_274 = arith.index_cast %mul3A_125 : i32 to index
          %swap3A_275 = tpu.vector_load %arg5[%swap3A_272, %swap3A_273, %swap3A_274] {strides = array<i32>} : memref<2x32x1024xf32, #tpu.memory_space<vmem>>, vector<16xf32>,
          tpu.vector_store %arg5[%swap3A_272, %swap3A_273, %swap3A_274], %min3A_269 {strides = array<i32>} : memref<2x32x1024xf32, #tpu.memory_space<vmem>>, vector<16xf32>,
          %min3A_276 = arith.minimumf %get3A_148, %get3A_172 : vector<16xf32>
          %swap3A_277 = arith.constant 1 : i32
          %swap3A_278 = arith.constant 7 : i32
          %swap3A_279 = arith.index_cast %swap3A_277 : i32 to index
          %swap3A_280 = arith.index_cast %swap3A_278 : i32 to index
          %swap3A_281 = arith.index_cast %mul3A_125 : i32 to index
          %swap3A_282 = tpu.vector_load %arg5[%swap3A_279, %swap3A_280, %swap3A_281] {strides = array<i32>} : memref<2x32x1024xf32, #tpu.memory_space<vmem>>, vector<16xf32>,
          tpu.vector_store %arg5[%swap3A_279, %swap3A_280, %swap3A_281], %min3A_276 {strides = array<i32>} : memref<2x32x1024xf32, #tpu.memory_space<vmem>>, vector<16xf32>,
          %min3A_283 = arith.minimumf %get3A_148, %get3A_164 : vector<16xf32>
          %swap3A_284 = arith.constant 1 : i32
          %swap3A_285 = arith.constant 8 : i32
          %swap3A_286 = arith.index_cast %swap3A_284 : i32 to index
          %swap3A_287 = arith.index_cast %swap3A_285 : i32 to index
          %swap3A_288 = arith.index_cast %mul3A_125 : i32 to index
          %swap3A_289 = tpu.vector_load %arg5[%swap3A_286, %swap3A_287, %swap3A_288] {strides = array<i32>} : memref<2x32x1024xf32, #tpu.memory_space<vmem>>, vector<16xf32>,
          tpu.vector_store %arg5[%swap3A_286, %swap3A_287, %swap3A_288], %min3A_283 {strides = array<i32>} : memref<2x32x1024xf32, #tpu.memory_space<vmem>>, vector<16xf32>,
          %min3A_290 = arith.minimumf %get3A_148, %get3A_156 : vector<16xf32>
          %swap3A_291 = arith.constant 1 : i32
          %swap3A_292 = arith.constant 9 : i32
          %swap3A_293 = arith.index_cast %swap3A_291 : i32 to index
          %swap3A_294 = arith.index_cast %swap3A_292 : i32 to index
          %swap3A_295 = arith.index_cast %mul3A_125 : i32 to index
          %swap3A_296 = tpu.vector_load %arg5[%swap3A_293, %swap3A_294, %swap3A_295] {strides = array<i32>} : memref<2x32x1024xf32, #tpu.memory_space<vmem>>, vector<16xf32>,
          tpu.vector_store %arg5[%swap3A_293, %swap3A_294, %swap3A_295], %min3A_290 {strides = array<i32>} : memref<2x32x1024xf32, #tpu.memory_space<vmem>>, vector<16xf32>,
          %min3A_297 = arith.minimumf %get3A_132, %get3A_196 : vector<16xf32>
          %swap3A_298 = arith.constant 1 : i32
          %swap3A_299 = arith.constant 10 : i32
          %swap3A_300 = arith.index_cast %swap3A_298 : i32 to index
          %swap3A_301 = arith.index_cast %swap3A_299 : i32 to index
          %swap3A_302 = arith.index_cast %mul3A_125 : i32 to index
          %swap3A_303 = tpu.vector_load %arg5[%swap3A_300, %swap3A_301, %swap3A_302] {strides = array<i32>} : memref<2x32x1024xf32, #tpu.memory_space<vmem>>, vector<16xf32>,
          tpu.vector_store %arg5[%swap3A_300, %swap3A_301, %swap3A_302], %min3A_297 {strides = array<i32>} : memref<2x32x1024xf32, #tpu.memory_space<vmem>>, vector<16xf32>,
          %min3A_304 = arith.minimumf %get3A_132, %get3A_204 : vector<16xf32>
          %swap3A_305 = arith.constant 1 : i32
          %swap3A_306 = arith.constant 11 : i32
          %swap3A_307 = arith.index_cast %swap3A_305 : i32 to index
          %swap3A_308 = arith.index_cast %swap3A_306 : i32 to index
          %swap3A_309 = arith.index_cast %mul3A_125 : i32 to index
          %swap3A_310 = tpu.vector_load %arg5[%swap3A_307, %swap3A_308, %swap3A_309] {strides = array<i32>} : memref<2x32x1024xf32, #tpu.memory_space<vmem>>, vector<16xf32>,
          tpu.vector_store %arg5[%swap3A_307, %swap3A_308, %swap3A_309], %min3A_304 {strides = array<i32>} : memref<2x32x1024xf32, #tpu.memory_space<vmem>>, vector<16xf32>,
          %min3A_311 = arith.minimumf %get3A_132, %get3A_212 : vector<16xf32>
          %swap3A_312 = arith.constant 1 : i32
          %swap3A_313 = arith.constant 12 : i32
          %swap3A_314 = arith.index_cast %swap3A_312 : i32 to index
          %swap3A_315 = arith.index_cast %swap3A_313 : i32 to index
          %swap3A_316 = arith.index_cast %mul3A_125 : i32 to index
          %swap3A_317 = tpu.vector_load %arg5[%swap3A_314, %swap3A_315, %swap3A_316] {strides = array<i32>} : memref<2x32x1024xf32, #tpu.memory_space<vmem>>, vector<16xf32>,
          tpu.vector_store %arg5[%swap3A_314, %swap3A_315, %swap3A_316], %min3A_311 {strides = array<i32>} : memref<2x32x1024xf32, #tpu.memory_space<vmem>>, vector<16xf32>,
          %min3A_318 = arith.minimumf %get3A_132, %get3A_220 : vector<16xf32>
          %swap3A_319 = arith.constant 1 : i32
          %swap3A_320 = arith.constant 13 : i32
          %swap3A_321 = arith.index_cast %swap3A_319 : i32 to index
          %swap3A_322 = arith.index_cast %swap3A_320 : i32 to index
          %swap3A_323 = arith.index_cast %mul3A_125 : i32 to index
          %swap3A_324 = tpu.vector_load %arg5[%swap3A_321, %swap3A_322, %swap3A_323] {strides = array<i32>} : memref<2x32x1024xf32, #tpu.memory_space<vmem>>, vector<16xf32>,
          tpu.vector_store %arg5[%swap3A_321, %swap3A_322, %swap3A_323], %min3A_318 {strides = array<i32>} : memref<2x32x1024xf32, #tpu.memory_space<vmem>>, vector<16xf32>,
          %min3A_325 = arith.minimumf %get3A_132, %get3A_228 : vector<16xf32>
          %swap3A_326 = arith.constant 1 : i32
          %swap3A_327 = arith.constant 14 : i32
          %swap3A_328 = arith.index_cast %swap3A_326 : i32 to index
          %swap3A_329 = arith.index_cast %swap3A_327 : i32 to index
          %swap3A_330 = arith.index_cast %mul3A_125 : i32 to index
          %swap3A_331 = tpu.vector_load %arg5[%swap3A_328, %swap3A_329, %swap3A_330] {strides = array<i32>} : memref<2x32x1024xf32, #tpu.memory_space<vmem>>, vector<16xf32>,
          tpu.vector_store %arg5[%swap3A_328, %swap3A_329, %swap3A_330], %min3A_325 {strides = array<i32>} : memref<2x32x1024xf32, #tpu.memory_space<vmem>>, vector<16xf32>,
          %min3A_332 = arith.minimumf %get3A_140, %get3A_196 : vector<16xf32>
          %swap3A_333 = arith.constant 1 : i32
          %swap3A_334 = arith.constant 15 : i32
          %swap3A_335 = arith.index_cast %swap3A_333 : i32 to index
          %swap3A_336 = arith.index_cast %swap3A_334 : i32 to index
          %swap3A_337 = arith.index_cast %mul3A_125 : i32 to index
          %swap3A_338 = tpu.vector_load %arg5[%swap3A_335, %swap3A_336, %swap3A_337] {strides = array<i32>} : memref<2x32x1024xf32, #tpu.memory_space<vmem>>, vector<16xf32>,
          tpu.vector_store %arg5[%swap3A_335, %swap3A_336, %swap3A_337], %min3A_332 {strides = array<i32>} : memref<2x32x1024xf32, #tpu.memory_space<vmem>>, vector<16xf32>,
          %min3A_339 = arith.minimumf %get3A_140, %get3A_204 : vector<16xf32>
          %swap3A_340 = arith.constant 1 : i32
          %swap3A_341 = arith.constant 16 : i32
          %swap3A_342 = arith.index_cast %swap3A_340 : i32 to index
          %swap3A_343 = arith.index_cast %swap3A_341 : i32 to index
          %swap3A_344 = arith.index_cast %mul3A_125 : i32 to index
          %swap3A_345 = tpu.vector_load %arg5[%swap3A_342, %swap3A_343, %swap3A_344] {strides = array<i32>} : memref<2x32x1024xf32, #tpu.memory_space<vmem>>, vector<16xf32>,
          tpu.vector_store %arg5[%swap3A_342, %swap3A_343, %swap3A_344], %min3A_339 {strides = array<i32>} : memref<2x32x1024xf32, #tpu.memory_space<vmem>>, vector<16xf32>,
          %min3A_346 = arith.minimumf %get3A_140, %get3A_212 : vector<16xf32>
          %swap3A_347 = arith.constant 1 : i32
          %swap3A_348 = arith.constant 17 : i32
          %swap3A_349 = arith.index_cast %swap3A_347 : i32 to index
          %swap3A_350 = arith.index_cast %swap3A_348 : i32 to index
          %swap3A_351 = arith.index_cast %mul3A_125 : i32 to index
          %swap3A_352 = tpu.vector_load %arg5[%swap3A_349, %swap3A_350, %swap3A_351] {strides = array<i32>} : memref<2x32x1024xf32, #tpu.memory_space<vmem>>, vector<16xf32>,
          tpu.vector_store %arg5[%swap3A_349, %swap3A_350, %swap3A_351], %min3A_346 {strides = array<i32>} : memref<2x32x1024xf32, #tpu.memory_space<vmem>>, vector<16xf32>,
          %min3A_353 = arith.minimumf %get3A_140, %get3A_220 : vector<16xf32>
          %swap3A_354 = arith.constant 1 : i32
          %swap3A_355 = arith.constant 18 : i32
          %swap3A_356 = arith.index_cast %swap3A_354 : i32 to index
          %swap3A_357 = arith.index_cast %swap3A_355 : i32 to index
          %swap3A_358 = arith.index_cast %mul3A_125 : i32 to index
          %swap3A_359 = tpu.vector_load %arg5[%swap3A_356, %swap3A_357, %swap3A_358] {strides = array<i32>} : memref<2x32x1024xf32, #tpu.memory_space<vmem>>, vector<16xf32>,
          tpu.vector_store %arg5[%swap3A_356, %swap3A_357, %swap3A_358], %min3A_353 {strides = array<i32>} : memref<2x32x1024xf32, #tpu.memory_space<vmem>>, vector<16xf32>,
          %min3A_360 = arith.minimumf %get3A_140, %get3A_228 : vector<16xf32>
          %swap3A_361 = arith.constant 1 : i32
          %swap3A_362 = arith.constant 19 : i32
          %swap3A_363 = arith.index_cast %swap3A_361 : i32 to index
          %swap3A_364 = arith.index_cast %swap3A_362 : i32 to index
          %swap3A_365 = arith.index_cast %mul3A_125 : i32 to index
          %swap3A_366 = tpu.vector_load %arg5[%swap3A_363, %swap3A_364, %swap3A_365] {strides = array<i32>} : memref<2x32x1024xf32, #tpu.memory_space<vmem>>, vector<16xf32>,
          tpu.vector_store %arg5[%swap3A_363, %swap3A_364, %swap3A_365], %min3A_360 {strides = array<i32>} : memref<2x32x1024xf32, #tpu.memory_space<vmem>>, vector<16xf32>,
          %min3A_367 = arith.minimumf %get3A_148, %get3A_196 : vector<16xf32>
          %swap3A_368 = arith.constant 1 : i32
          %swap3A_369 = arith.constant 20 : i32
          %swap3A_370 = arith.index_cast %swap3A_368 : i32 to index
          %swap3A_371 = arith.index_cast %swap3A_369 : i32 to index
          %swap3A_372 = arith.index_cast %mul3A_125 : i32 to index
          %swap3A_373 = tpu.vector_load %arg5[%swap3A_370, %swap3A_371, %swap3A_372] {strides = array<i32>} : memref<2x32x1024xf32, #tpu.memory_space<vmem>>, vector<16xf32>,
          tpu.vector_store %arg5[%swap3A_370, %swap3A_371, %swap3A_372], %min3A_367 {strides = array<i32>} : memref<2x32x1024xf32, #tpu.memory_space<vmem>>, vector<16xf32>,
          %min3A_374 = arith.minimumf %get3A_148, %get3A_204 : vector<16xf32>
          %swap3A_375 = arith.constant 1 : i32
          %swap3A_376 = arith.constant 21 : i32
          %swap3A_377 = arith.index_cast %swap3A_375 : i32 to index
          %swap3A_378 = arith.index_cast %swap3A_376 : i32 to index
          %swap3A_379 = arith.index_cast %mul3A_125 : i32 to index
          %swap3A_380 = tpu.vector_load %arg5[%swap3A_377, %swap3A_378, %swap3A_379] {strides = array<i32>} : memref<2x32x1024xf32, #tpu.memory_space<vmem>>, vector<16xf32>,
          tpu.vector_store %arg5[%swap3A_377, %swap3A_378, %swap3A_379], %min3A_374 {strides = array<i32>} : memref<2x32x1024xf32, #tpu.memory_space<vmem>>, vector<16xf32>,
          %min3A_381 = arith.minimumf %get3A_148, %get3A_212 : vector<16xf32>
          %swap3A_382 = arith.constant 1 : i32
          %swap3A_383 = arith.constant 22 : i32
          %swap3A_384 = arith.index_cast %swap3A_382 : i32 to index
          %swap3A_385 = arith.index_cast %swap3A_383 : i32 to index
          %swap3A_386 = arith.index_cast %mul3A_125 : i32 to index
          %swap3A_387 = tpu.vector_load %arg5[%swap3A_384, %swap3A_385, %swap3A_386] {strides = array<i32>} : memref<2x32x1024xf32, #tpu.memory_space<vmem>>, vector<16xf32>,
          tpu.vector_store %arg5[%swap3A_384, %swap3A_385, %swap3A_386], %min3A_381 {strides = array<i32>} : memref<2x32x1024xf32, #tpu.memory_space<vmem>>, vector<16xf32>,
          %min3A_388 = arith.minimumf %get3A_148, %get3A_220 : vector<16xf32>
          %swap3A_389 = arith.constant 1 : i32
          %swap3A_390 = arith.constant 23 : i32
          %swap3A_391 = arith.index_cast %swap3A_389 : i32 to index
          %swap3A_392 = arith.index_cast %swap3A_390 : i32 to index
          %swap3A_393 = arith.index_cast %mul3A_125 : i32 to index
          %swap3A_394 = tpu.vector_load %arg5[%swap3A_391, %swap3A_392, %swap3A_393] {strides = array<i32>} : memref<2x32x1024xf32, #tpu.memory_space<vmem>>, vector<16xf32>,
          tpu.vector_store %arg5[%swap3A_391, %swap3A_392, %swap3A_393], %min3A_388 {strides = array<i32>} : memref<2x32x1024xf32, #tpu.memory_space<vmem>>, vector<16xf32>,
          %min3A_395 = arith.minimumf %get3A_148, %get3A_228 : vector<16xf32>
          %swap3A_396 = arith.constant 1 : i32
          %swap3A_397 = arith.constant 24 : i32
          %swap3A_398 = arith.index_cast %swap3A_396 : i32 to index
          %swap3A_399 = arith.index_cast %swap3A_397 : i32 to index
          %swap3A_400 = arith.index_cast %mul3A_125 : i32 to index
          %swap3A_401 = tpu.vector_load %arg5[%swap3A_398, %swap3A_399, %swap3A_400] {strides = array<i32>} : memref<2x32x1024xf32, #tpu.memory_space<vmem>>, vector<16xf32>,
          tpu.vector_store %arg5[%swap3A_398, %swap3A_399, %swap3A_400], %min3A_395 {strides = array<i32>} : memref<2x32x1024xf32, #tpu.memory_space<vmem>>, vector<16xf32>,
        }
        %scan3A_110 = arith.constant 64 : i32
        %dma_start3A = arith.constant 1 : i32
        %dma_start3A_111 = arith.constant 0 : i32
        %dma_start3A_112 = arith.constant 0 : i32
        %dma_start3A_113 = tpu.memref_slice %arg5[%dma_start3A, %dma_start3A_111, %dma_start3A_112] : memref<2x32x1024xf32, #tpu.memory_space<vmem>> -> memref<1x32x1024xf32, #tpu.memory_space<vmem>>
        %dma_start3A_114 = tpu.memref_squeeze %dma_start3A_113 : memref<1x32x1024xf32, #tpu.memory_space<vmem>> -> memref<32x1024xf32, #tpu.memory_space<vmem>>
        %dma_start3A_115 = arith.constant 0 : i32
        %dma_start3A_116 = tpu.memref_slice %arg3[%dma_start3A_115, %multiple_of3A_69] : memref<32x1000000xf32, #tpu.memory_space<hbm>> -> memref<32x1024xf32, #tpu.memory_space<hbm>>
        %dma_start3A_117 = arith.constant 0 : i32
        %dma_start3A_118 = tpu.memref_slice %arg3[%dma_start3A_117, %multiple_of3A_69] : memref<32x1000000xf32, #tpu.memory_space<hbm>> -> memref<32x1024xf32, #tpu.memory_space<hbm>>
        %dma_start3A_119 = arith.constant 0 : i32
        %dma_start3A_120 = arith.constant 0 : i32
        %dma_start3A_121 = tpu.memref_slice %arg5[%dma_start3A, %dma_start3A_119, %dma_start3A_120] : memref<2x32x1024xf32, #tpu.memory_space<vmem>> -> memref<1x32x1024xf32, #tpu.memory_space<vmem>>
        %dma_start3A_122 = tpu.memref_squeeze %dma_start3A_121 : memref<1x32x1024xf32, #tpu.memory_space<vmem>> -> memref<32x1024xf32, #tpu.memory_space<vmem>>
        tpu.enqueue_dma source(%dma_start3A_122 : memref<32x1024xf32, #tpu.memory_space<vmem>>) target(%dma_start3A_118 : memref<32x1024xf32, #tpu.memory_space<hbm>>) target_semaphore(%arg9 : memref<!tpu.dma_semaphore, #tpu.memory_space<semaphore_mem>>)
      } else {
      }
      %add3A_75 = arith.constant 2 : i32
      %add3A_76 = arith.addi %add3A_60, %add3A_75 : i32
      %mul3A_77 = arith.constant 32 : i32
      %mul3A_78 = arith.muli %add3A_76, %mul3A_77 : i32
      %add3A_79 = arith.addi %mul3A_78, %add3A : i32
      %lt3A_80 = arith.constant 976 : i32
      %lt3A_81 = arith.cmpi slt, %add3A_79, %lt3A_80 : i32
      %convert_element_type3A_82 = arith.extui %lt3A_81 : i1 to i32
      %cond3A_83 = arith.constant 0 : i32
      %cond3A_84 = arith.cmpi ne, %convert_element_type3A_82, %cond3A_83 : i32
      scf.if %cond3A_84 {
        %mul3A_85 = arith.constant 32 : i32
        %mul3A_86 = arith.muli %add3A_76, %mul3A_85 : i32
        %add3A_87 = arith.addi %mul3A_86, %add3A : i32
        %mul3A_88 = arith.constant 1024 : i32
        %mul3A_89 = arith.muli %add3A_87, %mul3A_88 : i32
        %multiple_of3A_90 = tpu.assume_multiple %mul3A_89, 128 : i32
        %dma_start3A = arith.constant 1 : i32
        %dma_start3A_91 = arith.constant 0 : i32
        %dma_start3A_92 = arith.constant 0 : i32
        %dma_start3A_93 = arith.constant 0 : i32
        %dma_start3A_94 = tpu.memref_slice %arg4[%dma_start3A, %dma_start3A_91, %dma_start3A_92, %dma_start3A_93] : memref<2x5x3x1024xf32, #tpu.memory_space<vmem>> -> memref<1x5x3x1024xf32, #tpu.memory_space<vmem>>
        %dma_start3A_95 = tpu.memref_squeeze %dma_start3A_94 : memref<1x5x3x1024xf32, #tpu.memory_space<vmem>> -> memref<5x3x1024xf32, #tpu.memory_space<vmem>>
        %dma_start3A_96 = arith.constant 0 : i32
        %dma_start3A_97 = arith.constant 0 : i32
        %dma_start3A_98 = tpu.memref_slice %arg2[%dma_start3A_96, %dma_start3A_97, %multiple_of3A_90] : memref<5x3x1000000xf32, #tpu.memory_space<hbm>> -> memref<5x3x1024xf32, #tpu.memory_space<hbm>>
        %dma_start3A_99 = arith.constant 0 : i32
        %dma_start3A_100 = arith.constant 0 : i32
        %dma_start3A_101 = arith.constant 0 : i32
        %dma_start3A_102 = tpu.memref_slice %arg4[%dma_start3A, %dma_start3A_99, %dma_start3A_100, %dma_start3A_101] : memref<2x5x3x1024xf32, #tpu.memory_space<vmem>> -> memref<1x5x3x1024xf32, #tpu.memory_space<vmem>>
        %dma_start3A_103 = tpu.memref_squeeze %dma_start3A_102 : memref<1x5x3x1024xf32, #tpu.memory_space<vmem>> -> memref<5x3x1024xf32, #tpu.memory_space<vmem>>
        %dma_start3A_104 = arith.constant 0 : i32
        %dma_start3A_105 = arith.constant 0 : i32
        %dma_start3A_106 = tpu.memref_slice %arg2[%dma_start3A_104, %dma_start3A_105, %multiple_of3A_90] : memref<5x3x1000000xf32, #tpu.memory_space<hbm>> -> memref<5x3x1024xf32, #tpu.memory_space<hbm>>
        tpu.enqueue_dma source(%dma_start3A_106 : memref<5x3x1024xf32, #tpu.memory_space<hbm>>) target(%dma_start3A_103 : memref<5x3x1024xf32, #tpu.memory_space<vmem>>) target_semaphore(%arg7 : memref<!tpu.dma_semaphore, #tpu.memory_space<semaphore_mem>>)
      } else {
      }
    }
    %scan3A_16 = arith.constant 16 : i32
    %add3A_17 = arith.constant 0 : i32
    %add3A_18 = arith.addi %add3A_17, %add3A : i32
    %lt3A_19 = arith.constant 976 : i32
    %lt3A_20 = arith.cmpi slt, %add3A_18, %lt3A_19 : i32
    %convert_element_type3A_21 = arith.extui %lt3A_20 : i1 to i32
    %cond3A_22 = arith.constant 0 : i32
    %cond3A_23 = arith.cmpi ne, %convert_element_type3A_21, %cond3A_22 : i32
    scf.if %cond3A_23 {
      %dma_wait3A = arith.constant 0 : i32
      %dma_wait3A_31 = arith.constant 0 : i32
      %dma_wait3A_32 = arith.constant 0 : i32
      %dma_wait3A_33 = tpu.memref_slice %arg5[%dma_wait3A, %dma_wait3A_31, %dma_wait3A_32] : memref<2x32x1024xf32, #tpu.memory_space<vmem>> -> memref<1x32x1024xf32, #tpu.memory_space<vmem>>
      %dma_wait3A_34 = tpu.memref_squeeze %dma_wait3A_33 : memref<1x32x1024xf32, #tpu.memory_space<vmem>> -> memref<32x1024xf32, #tpu.memory_space<vmem>>
      %dma_wait3A_35 = arith.constant 0 : i32
      %dma_wait3A_36 = arith.constant 0 : i32
      %dma_wait3A_37 = tpu.memref_slice %arg3[%dma_wait3A_35, %dma_wait3A_36] : memref<32x1000000xf32, #tpu.memory_space<hbm>> -> memref<32x1024xf32, #tpu.memory_space<hbm>>
      %dma_wait3A_38 = arith.constant 0 : i32
      %dma_wait3A_39 = arith.constant 0 : i32
      %dma_wait3A_40 = tpu.memref_slice %arg3[%dma_wait3A_38, %dma_wait3A_39] : memref<32x1000000xf32, #tpu.memory_space<hbm>> -> memref<32x1024xf32, #tpu.memory_space<hbm>>
      %dma_wait3A_41 = arith.constant 0 : i32
      %dma_wait3A_42 = arith.constant 0 : i32
      %dma_wait3A_43 = tpu.memref_slice %arg5[%dma_wait3A, %dma_wait3A_41, %dma_wait3A_42] : memref<2x32x1024xf32, #tpu.memory_space<vmem>> -> memref<1x32x1024xf32, #tpu.memory_space<vmem>>
      %dma_wait3A_44 = tpu.memref_squeeze %dma_wait3A_43 : memref<1x32x1024xf32, #tpu.memory_space<vmem>> -> memref<32x1024xf32, #tpu.memory_space<vmem>>
      tpu.wait_dma2 semaphore(%arg8 : memref<!tpu.dma_semaphore, #tpu.memory_space<semaphore_mem>>) src(%dma_wait3A_44 : memref<32x1024xf32, #tpu.memory_space<vmem>>) dst(%dma_wait3A_40 : memref<32x1024xf32, #tpu.memory_space<hbm>>)
    } else {
    }
    %add3A_24 = arith.constant 32 : i32
    %add3A_25 = arith.addi %add3A_24, %add3A : i32
    %lt3A_26 = arith.constant 976 : i32
    %lt3A_27 = arith.cmpi slt, %add3A_25, %lt3A_26 : i32
    %convert_element_type3A_28 = arith.extui %lt3A_27 : i1 to i32
    %cond3A_29 = arith.constant 0 : i32
    %cond3A_30 = arith.cmpi ne, %convert_element_type3A_28, %cond3A_29 : i32
    scf.if %cond3A_30 {
      %dma_wait3A = arith.constant 1 : i32
      %dma_wait3A_31 = arith.constant 0 : i32
      %dma_wait3A_32 = arith.constant 0 : i32
      %dma_wait3A_33 = tpu.memref_slice %arg5[%dma_wait3A, %dma_wait3A_31, %dma_wait3A_32] : memref<2x32x1024xf32, #tpu.memory_space<vmem>> -> memref<1x32x1024xf32, #tpu.memory_space<vmem>>
      %dma_wait3A_34 = tpu.memref_squeeze %dma_wait3A_33 : memref<1x32x1024xf32, #tpu.memory_space<vmem>> -> memref<32x1024xf32, #tpu.memory_space<vmem>>
      %dma_wait3A_35 = arith.constant 0 : i32
      %dma_wait3A_36 = arith.constant 0 : i32
      %dma_wait3A_37 = tpu.memref_slice %arg3[%dma_wait3A_35, %dma_wait3A_36] : memref<32x1000000xf32, #tpu.memory_space<hbm>> -> memref<32x1024xf32, #tpu.memory_space<hbm>>
      %dma_wait3A_38 = arith.constant 0 : i32
      %dma_wait3A_39 = arith.constant 0 : i32
      %dma_wait3A_40 = tpu.memref_slice %arg3[%dma_wait3A_38, %dma_wait3A_39] : memref<32x1000000xf32, #tpu.memory_space<hbm>> -> memref<32x1024xf32, #tpu.memory_space<hbm>>
      %dma_wait3A_41 = arith.constant 0 : i32
      %dma_wait3A_42 = arith.constant 0 : i32
      %dma_wait3A_43 = tpu.memref_slice %arg5[%dma_wait3A, %dma_wait3A_41, %dma_wait3A_42] : memref<2x32x1024xf32, #tpu.memory_space<vmem>> -> memref<1x32x1024xf32, #tpu.memory_space<vmem>>
      %dma_wait3A_44 = tpu.memref_squeeze %dma_wait3A_43 : memref<1x32x1024xf32, #tpu.memory_space<vmem>> -> memref<32x1024xf32, #tpu.memory_space<vmem>>
      tpu.wait_dma2 semaphore(%arg9 : memref<!tpu.dma_semaphore, #tpu.memory_space<semaphore_mem>>) src(%dma_wait3A_44 : memref<32x1024xf32, #tpu.memory_space<vmem>>) dst(%dma_wait3A_40 : memref<32x1024xf32, #tpu.memory_space<hbm>>)
    } else {
    }
    return
  }
}

</mosaic_0001>

<sc_bundles>
// kernel: kernel.3.cloned.1.call-start
scs
__scs_entry_jumppad:
0x0: {  	(pc) =	sbr.rel $0x88, $3  }
0x1: {  	(tag) =	ssettag $0x0;
	lr =	simm.s32 $0x1  }
0x2: {  	[smem:$0x3FA0] =	sst lr;
	_ =	strace $0xD0000000  }
0x3: {  	_ = 	snop  }
0x4: {  	_ = 	snop  }
0x5: {  	_ = 	snop  }
0x6: {  	_ = 	snop  }
0x7: {  	_ = 	snop  }
__scs_overlays_trampoline_lowered:
0x8: {  	[smem:$0x3FAF] =	sst s0  }
0x9: {  	[smem:$0x3FB0] =	sst s1  }
0xa: {  	[smem:$0x3FB1] =	sst s2  }
0xb: {  	[smem:$0x3FB2] =	sst s3  }
0xc: {  	[smem:$0x3FB3] =	sst s4  }
0xd: {  	[smem:$0x3FB4] =	sst s5  }
0xe: {  	[smem:$0x3FB5] =	sst s6  }
0xf: {  	[smem:$0x3FB6] =	sst s7  }
0x10: {  	[smem:$0x3FB7] =	sst s8  }
0x11: {  	[smem:$0x3FB8] =	sst s9;
	s0 =	simm.s32 @!p0 $0x0  }
0x12: {  	s1 =	sld [smem:$0x3F9E];
	s0 =	simm.s32 @p0 $0x1  }
0x13: {  	[smem:$0x3FB9] =	sst s0;
	s0 =	simm.s32 @!p1 $0x0  }
0x14: {  	s2 =	sld [smem:$0x3F9D];
	s0 =	simm.s32 @p1 $0x1  }
0x15: {  	[smem:$0x3FBA] =	sst s0;
	s0 =	simm.s32 @!p2 $0x0  }
0x16: {  	s3 =	sld [smem:$0x3FDB];
	s0 =	simm.s32 @p2 $0x1  }
0x17: {  	s4 =	simm.s32 $0x1BF5;
	[smem:$0x3FBC] =	sst s0  }
0x18: {  	s0 =	sld [smem:$0x3F9F];
	_ =	swait.ge [sflag:s4], $0x0  }
0x19: {  	s7 =	sld [smem:$0x3FA0]  }
0x1a: {  	s8 =	sadd.s32 $0xFFFFE003, lr  }
0x1b: {  	s9 =	sadd.s32 $0xFFFFFEF7, lr;
	s5 =	simm.s32 $0xFFFFFFFF;
	p2 =	slt.u32 s8, $0xFFFFF086  }
0x1c: {  	p1 =	slt.u32 s9, $0xF7A;
	s5 =	simm.s32 @!p2 $0x0  }
0x1d: {  	s5 =	simm.s32 @p1 $0x1;
	p0 =	seq.s32 s7, s2  }
0x1e: {  	s7 =	smul.u32 @!p0 $0xF7A, s2;
	p2 =	seq.s32 @!p0 s5, $0x0  }
0x1f: {  	s9 =	smul.u32 $0xF7A, s1;
	s8 =	simm.s32 @!p0 $0x1BF5;
	p2 =	por !p2, p0  }
0x20: {  	[sflag:s8] =	ssyncset.s32 @!p0 $0xFFFFF086;
	s6 =	sadd.s32 @!p0 s3, s7;
	s7 =	simm.s32 @!p0 $0x108  }
0x21: {  	s3 =	sadd.s32 s3, s9;
	s6 =	sadd.s32 @!p0 $0x88, s6;
	s7 =	simm.s32 @p2 $0x1082  }
0x22: {  	[simem:s7], [sflag:s8] =	dma.local @!p0 [hbm:s6], $0xF7A  }
0x23: {  	s9 =	sor.u32 $0xD0000000, s2;
	s6 =	simm.s32 $0x108;
	_ =	swait.ge @!p0 [sflag:s8], $0x0  }
0x24: {  	s3 =	sadd.s32 $0x88, s3;
	s6 =	simm.s32 @!p1 $0x1082;
	[sflag:s4] =	ssyncset.s32 $0xFFFFF086  }
0x25: {  	[simem:s6], [sflag:s4] =	dma.local [hbm:s3], $0xF7A  }
0x26: {  	[smem:$0x3FA0] =	sst s1;
	(tag) =	ssettag s2;
	_ =	strace s9  }
0x27: {  	s1 =	sld [smem:$0x3FB0]  }
0x28: {  	s2 =	sld [smem:$0x3FB1]  }
0x29: {  	s4 =	sld [smem:$0x3FB3]  }
0x2a: {  	p0 =	seq.s32 s5, $0x0;
	s5 =	sld [smem:$0x3FB4]  }
0x2b: {  	s6 =	sld [smem:$0x3FB5]  }
0x2c: {  	s7 =	sld [smem:$0x3FB6]  }
0x2d: {  	s3 =	simm.s32 $0x108;
	s8 =	sld [smem:$0x3FB7]  }
0x2e: {  	s3 =	simm.s32 @!p0 $0x1082;
	s9 =	sld [smem:$0x3FB8]  }
0x2f: {  	lr =	sadd.s32 s0, s3;
	s0 =	sld [smem:$0x3FAF]  }
0x30: {  	s3 =	sld [smem:$0x3FB2]  }
0x31: {  	[smem:$0x3FBB] =	sst s10  }
0x32: {  	s10 =	sld [smem:$0x3FB9];
	_ =	sdelay $0x3  }
0x33: {  	p0 =	seq.s32 s10, $0x1;
	s10 =	sld [smem:$0x3FBB];
	_ =	sdelay $0x3  }
0x34: {  	[smem:$0x3FBB] =	sst s10  }
0x35: {  	s10 =	sld [smem:$0x3FBA];
	_ =	sdelay $0x3  }
0x36: {  	p1 =	seq.s32 s10, $0x1;
	s10 =	sld [smem:$0x3FBB];
	_ =	sdelay $0x3  }
0x37: {  	[smem:$0x3FBB] =	sst s10  }
0x38: {  	s10 =	sld [smem:$0x3FBC]  }
0x39: {  	_ = 	snop;
	(pc) =	sbr.ind lr, $3  }
0x3a: {  	_ = 	snop  }
0x3b: {  	_ = 	snop  }
0x3c: {  	p2 =	seq.s32 s10, $0x1;
	s10 =	sld [smem:$0x3FBB]  }
0x3d: {  	_ =	shalt  }
0x3e: {  	_ =	shalt  }
0x3f: {  	_ =	shalt  }
0x40: {  	_ =	shalt  }
0x41: {  	_ =	shalt  }
0x42: {  	_ =	shalt  }
0x43: {  	_ =	shalt  }
0x44: {  	_ =	shalt  }
0x45: {  	_ =	shalt  }
0x46: {  	_ =	shalt  }
0x47: {  	_ =	shalt  }
0x48: {  	_ =	shalt  }
0x49: {  	_ =	shalt  }
0x4a: {  	_ =	shalt  }
0x4b: {  	_ =	shalt  }
0x4c: {  	_ =	shalt  }
0x4d: {  	_ =	shalt  }
0x4e: {  	_ =	shalt  }
0x4f: {  	_ =	shalt  }
0x50: {  	_ =	shalt  }
0x51: {  	_ =	shalt  }
0x52: {  	_ =	shalt  }
0x53: {  	_ =	shalt  }
0x54: {  	_ =	shalt  }
0x55: {  	_ =	shalt  }
0x56: {  	_ =	shalt  }
0x57: {  	_ =	shalt  }
0x58: {  	_ =	shalt  }
0x59: {  	_ =	shalt  }
0x5a: {  	_ =	shalt  }
0x5b: {  	_ =	shalt  }
0x5c: {  	_ =	shalt  }
0x5d: {  	_ =	shalt  }
0x5e: {  	_ =	shalt  }
0x5f: {  	_ =	shalt  }
0x60: {  	_ =	shalt  }
0x61: {  	_ =	shalt  }
0x62: {  	_ =	shalt  }
0x63: {  	_ =	shalt  }
0x64: {  	_ =	shalt  }
0x65: {  	_ =	shalt  }
0x66: {  	_ =	shalt  }
0x67: {  	_ =	shalt  }
0x68: {  	_ =	shalt  }
0x69: {  	_ =	shalt  }
0x6a: {  	_ =	shalt  }
0x6b: {  	_ =	shalt  }
0x6c: {  	_ =	shalt  }
0x6d: {  	_ =	shalt  }
0x6e: {  	_ =	shalt  }
0x6f: {  	_ =	shalt  }
0x70: {  	_ =	shalt  }
0x71: {  	_ =	shalt  }
0x72: {  	_ =	shalt  }
0x73: {  	_ =	shalt  }
0x74: {  	_ =	shalt  }
0x75: {  	_ =	shalt  }
0x76: {  	_ =	shalt  }
0x77: {  	_ =	shalt  }
0x78: {  	_ =	shalt  }
0x79: {  	_ =	shalt  }
0x7a: {  	_ =	shalt  }
0x7b: {  	_ =	shalt  }
0x7c: {  	_ =	shalt  }
0x7d: {  	_ =	shalt  }
0x7e: {  	_ =	shalt  }
0x7f: {  	_ =	shalt  }
0x80: {  	_ =	shalt  }
0x81: {  	_ =	shalt  }
0x82: {  	_ =	shalt  }
0x83: {  	_ =	shalt  }
0x84: {  	_ =	shalt  }
0x85: {  	_ =	shalt  }
0x86: {  	_ =	shalt  }
0x87: {  	_ =	shalt  }
.Lfunc_end0:
.L_simem_size_0:
called_computation_lowered:
.L_overlay_start_0:
0x88: {  	s2 =	sld [smem:$0x3FD9]  }
0x89: {  	s3 =	sld [smem:$0x3FFE];
	_ =	sdelay $0x1  }
0x8a: {  	s1 =	srdreg.scid  }
0x8b: {  	s0 =	sand.u32 $0x1, s1  }
0x8c: {  	s18 =	sshll.u32 s0, $0xA;
	s2 =	sadd.s32 s3, s2  }
0x8d: {  	s2 =	sadd.s32 s2, s18  }
0x8e: {  	[smem:$0x3FC7] =	sst s2  }
0x8f: {  	_ = 	snop  }
0x90: {  	s2 =	sld [smem:$0x3FC9]  }
0x91: {  	s19 =	sld [smem:$0x3FD0];
	(tm) =	ssettm $0x1  }
0x92: {  	s4 =	sld [smem:$0x3FFB];
	_ =	sdelay $0x3  }
0x93: {  	_ =	strace s4  }
0x94: {  	s4 =	sld [smem:$0x3FFC];
	_ =	sdelay $0x3  }
0x95: {  	_ =	strace s4  }
0x96: {  	s4 =	sld [smem:$0x3FFD];
	_ =	sdelay $0x3  }
0x97: {  	_ =	strace s4  }
0x98: {  	_ =	strace $0x8FFFFFFF  }
0x99: {  	s20 =	sld [smem:$0x3FDB];
	_ =	sdelay $0x1  }
0x9a: {  	s5 =	simm.s32 $_scs_section_size  }
0x9b: {  	s6 =	simm.s32 $_size__tile_overlayer_lowered;
	s7 =	simm.s32 $_tile_overlayer_lowered  }
0x9c: {  	s23 =	simm.s32 $0x1BFF;
	s22 =	sshll.u32 s7, $0x1;
	s4 =	sadd.s32 s5, s20  }
0x9d: {  	s8 =	simm.s32 $0x0;
	s21 =	sshll.u32 s6, $0x1;
	s6 =	sadd.s32 s22, s4  }
0x9e: {  	[timem:s8], [sflag:s23] =	dma.local [hbm:s6], s21  }
0x9f: {  	_ =	swait.ge [sflag:s23], s21  }
0xa0: {  	s5 =	ssub.s32 $0x0, s21;
	[sflag:s23] =	ssyncset.done $0x0  }
0xa1: {  	[sflag:s23] =	ssyncadd.s32 s5;
	_ =	sdelay $0x1  }
0xa2: {  	s24 =	simm.s32 $0x1B8B  }
0xa3: {  	_ =	swait.ge [sflag:s24], $0x1  }
0xa4: {  	[sflag:s24] =	ssyncset.done $0x0  }
0xa5: {  	s25 =	simm.s32 $0x1B8E;
	[sflag:s24] =	ssyncadd.s32 $0xFFFFFFFF  }
0xa6: {  	s26 =	simm.s32 $execute0_lowered;
	[smem:$0x3FD2] =	sst s25  }
0xa7: {  	s5 =	sshll.u32 s26, $0x1;
	_ =	strace $0x80000046;
	[dreg:$0x1] =	wrdreg $0xFFFFFFFF  }
0xa8: {  	s28 =	simm.s32 $_size_execute0_lowered;
	s4 =	sadd.s32 s4, s5;
	[dreg:$0x0] =	wrdreg $0x0  }
0xa9: {  	s5 =	sshll.u32 s28, $0x1;
	[dreg:$0x2] =	wrdreg s4  }
0xaa: {  	[dreg:$0x3] =	wrdreg s5  }
0xab: {  	[dreg:$0x4] =	wrdreg $0xC0  }
0xac: {  	_ =	task [dreg:s8], $0x5FFFF  }
0xad: {  	[dreg:$0x1] =	wrdreg $0xFFFFFFFF  }
0xae: {  	[dreg:$0x0] =	wrdreg $0x60  }
0xaf: {  	[dreg:$0x2] =	wrdreg s2  }
0xb0: {  	[dreg:$0x3] =	wrdreg s19  }
0xb1: {  	[dreg:$0x4] =	wrdreg $0x9  }
0xb2: {  	_ =	task.clear_ibuf [dreg:s8], $0x5FFFF;
	_ =	strace $0x90000046  }
0xb3: {  	s29 =	simm.s32 $0x9;
	_ =	strace $0x80000048  }
0xb4: {  	_ =	swait.ge [sflag:s29], $0x1  }
0xb5: {  	[sflag:s29] =	ssyncadd.s32 $0xFFFFFFFF  }
0xb6: {  	_ =	strace $0x90000048  }
0xb7: {  	_ =	sfence  }
0xb8: {  	s30 =	sld [smem:$0x0];
	_ =	sdelay $0x2  }
0xb9: {  	s31 =	sshll.u32 s1, $0xD;
	s1 =	sshrl.u32 s1, $0x2  }
0xba: {  	s3 =	sand.u32 $0x4000, s31;
	s1 =	sadd.s32 s1, s30  }
0xbb: {  	s0 =	sor.u32 s3, s0;
	s1 =	sshll.u32 s1, $0x11  }
0xbc: {  	s0 =	sor.u32 s1, s0  }
0xbd: {  	s0 =	sadd.s32 $0x8F2B, s0  }
0xbe: {  	[sflag:s0] =	ssyncadd.remote.s32 $0x1  }
0xbf: {  	_ =	sfence.sel $0xFFFF  }
0xc0: {  	[dreg:$0x0] =	wrdreg $0xFFFFFFFF;
	(pc) =	sbr.abs _section_cstart, $3  }
0xc1: {  	[dreg:$0x1] =	wrdreg $0xFFFFFFFF  }
0xc2: {  	_ =	task.clear_ibuf [dreg:s8], $0x2FFFF;
	_ =	strace $0x9FFFFFFF  }
0xc3: {  	(tm) =	ssettm $0x7FFFFFFF  }
tec
execute0_lowered:
.L_overlay_start_1:
0x0: {  	(tag) =	ssettag $0x1  }
0x1: {  	s2 =	rddreg [dreg:$0x0];
	s1 =	srdreg.scid  }
0x2: {  	s0 =	stileid.u32;
	s3 =	rddreg [dreg:$0x1];
	s5 =	simm.s32 $0x0  }
0x3: {  	s11 =	simm.s32 $0x1000;
	s12 =	simm.s32 $0x3D0A00;
	s13 =	simm.s32 $0x5000  }
0x4: {  	s14 =	simm.s32 $0x1;
	s15 =	simm.s32 $0x2000;
	s16 =	simm.s32 $0x7A1400  }
0x5: {  	s17 =	simm.s32 $0xA000;
	s18 =	simm.s32 $0x2;
	s19 =	simm.s32 $0x12000  }
0x6: {  	s20 =	simm.s32 $0x3;
	s21 =	simm.s32 $0x4;
	s22 =	simm.s32 $0x0  }
.Ltmp0:
0x7: {  	s1 =	sand.u32 $0x1, s1;
	s4 =	sshll.u32 s0, $0x1;
	(pc) =	sbr.rel .LBB2_1-.Ltmp0, $4  }
0x8: {  	[smem:$0x7FF] =	sst s5;
	s4 =	sor.u32 s1, s4;
	s1 =	ssub.s32 $0x2, s1  }
0x9: {  	_ =	strace $0x80000047;
	s6 =	sshll.u32 s4, $0x9;
	s7 =	sshrl.u32 s1, $0x1  }
0xa: {  	s8 =	sor.u32 $0x40, s4;
	s6 =	sadd.s32 s2, s6;
	s1 =	ssub.s32 s1, s7  }
0xb: {  	s9 =	sor.u32 $0x60, s4;
	s7 =	sadd.s32 $0x4000, s6;
	s10 =	smax.u32 s1, $0x1  }
.LBB2_11:
0xc: {  	s22 =	sadd.s32 $0x1, s22  }
0xd: {  	_ =	swait.ge [sflag:s20], $0x8000;
	p0 =	sne.s32 s22, s10  }
.Ltmp1:
0xe: {  	[sflag:s20] =	ssyncset.done $0x0;
	(pc) =	sbr.rel @!p0 .LBB2_12-.Ltmp1, $4  }
0xf: {  	[sflag:s20] =	ssyncadd.s32 $0xFFFF8000  }
0x10: {  	_ =	swait.ge [sflag:s21], $0x8000  }
0x11: {  	[sflag:s21] =	ssyncset.done $0x0  }
0x12: {  	[sflag:s21] =	ssyncadd.s32 $0xFFFF8000  }
.LBB2_1:
.Ltmp2:
0x13: {  	(pc) =	sbr.rel .LBB2_2-.Ltmp2, $4  }
0x14: {  	_ = 	snop  }
0x15: {  	[tilespmem:s5], [sflag:$0x1] =	stream.strided.gather [hbm4b:s6+s11], $0x5000, s12, s11, $0x38;
	[tilespmem:$0x1A000] =	vst v63  }
0x16: {  	s23 =	simm.s32 $0x0  }
0x17: {  	[tilespmem:s13], [sflag:$0x2] =	stream.strided.gather [hbm4b:s7+s11], $0x5000, s12, s11, $0x38;
	[tilespmem:$0x1A000] =	vst v63  }
.LBB2_10:
0x18: {  	s1 =	sadd.s32 s9, s24  }
0x19: {  	p0 =	sgt.u32 s1, $0x3CF  }
0x1a: {  	s23 =	sadd.s32 $0x1, s23;
	s1 =	sshll.u32 @!p0 s1, $0x9;
	s24 =	simm.s32 @!p0 $0x1000  }
0x1b: {  	s25 =	simm.s32 @!p0 $0x3D0A00;
	s26 =	simm.s32 @!p0 $0x5000;
	s1 =	sadd.s32 @!p0 s2, s1  }
0x1c: {  	[tilespmem:s26], [sflag:$0x2] =	stream.strided.gather @!p0 [hbm4b:s1+s24], $0x5000, s25, s24, $0x38;
	[tilespmem:$0x1A000] =	vst v63  }
0x1d: {  	p0 =	sne.s32 s23, $0x10  }
.Ltmp3:
0x1e: {  	_ = 	snop;
	(pc) =	sbr.rel @!p0 .LBB2_11-.Ltmp3, $1  }
0x1f: {  	_ =	sdelay $0x3  }
.LBB2_2:
0x20: {  	s24 =	sshll.u32 s23, $0x6  }
0x21: {  	s25 =	sor.u32 s4, s24  }
0x22: {  	p1 =	sgt.u32 s25, $0x3CF  }
.Ltmp4:
0x23: {  	_ = 	snop;
	(pc) =	sbr.rel @p1 .LBB2_6-.Ltmp4, $2  }
0x24: {  	_ =	sdelay $0x2  }
0x25: {  	p0 =	seq.s32 s23, $0x0  }
0x26: {  	_ =	swait.ge [sflag:s14], $0x5000  }
0x27: {  	[sflag:s14] =	ssyncset.done $0x0  }
0x28: {  	s28 =	simm.s32 @!p0 $0x3;
	[sflag:s14] =	ssyncadd.s32 $0xFFFFB000  }
0x29: {  	s26 =	simm.s32 $0x0;
	s29 =	simm.s32 $0x0;
	_ =	swait.ge @!p0 [sflag:s28], $0x8000  }
0x2a: {  	s1 =	sand.u32 $0x70, s26;
	s29 =	sand.u32 $0x3FFFFE00, s29;
	[sflag:s28] =	ssyncset.done @!p0 $0x0  }
0x2b: {  	s31 =	sor.u32 s1, s29;
	[sflag:s28] =	ssyncadd.s32 @!p0 $0xFFFF8000  }
0x2c: {  	v1 =	vld [tilespmem:s31+$0x1000]  }
0x2d: {  	v2 =	vld [tilespmem:s31+$0x2000]  }
0x2e: {  	v0 =	vld [tilespmem:s31+$0x3000]  }
0x2f: {  	s29 =	simm.s32 $0x0;
	s28 =	simm.s32 $0x1;
	v3 =	vld [tilespmem:s31+$0x80]  }
.LBB2_4:
0x30: {  	p1 =	sne.s32 s28, $0x3F;
	v4 =	vld [tilespmem:s31+$0x1080]  }
0x31: {  	v5 =	vld [tilespmem:s31+$0x2080]  }
0x32: {  	v6 =	vld [tilespmem:s31+$0x4100]  }
0x33: {  	v7 =	vld [tilespmem:s31+$0x3080]  }
0x34: {  	v8 =	vld [tilespmem:s31+$0x4080];
	v9 =	vmin.f32 v1, v3;
	v3 =	vmin.f32 v0, v3  }
0x35: {  	s30 =	sshll.u32 s26, $0x7;
	s26 =	smov.u32 s28;
	v10 =	vld [tilespmem:s31+$0x100];
	v11 =	vmin.f32 v1, v4;
	v4 =	vmin.f32 v0, v4  }
0x36: {  	s30 =	sand.u32 $0x3FFFFC00, s30;
	v12 =	vld [tilespmem:s31+$0x1100];
	v13 =	vmin.f32 v1, v5;
	v5 =	vmin.f32 v0, v5  }
0x37: {  	s30 =	sor.u32 s1, s30;
	v14 =	vld [tilespmem:s31+$0x2100];
	v15 =	vmin.f32 v1, v6;
	v16 =	vmin.f32 v2, v6;
	v6 =	vmin.f32 v0, v6  }
0x38: {  	v17 =	vld [tilespmem:s31+$0x3100];
	v18 =	vmin.f32 v1, v7;
	v7 =	vmin.f32 v0, v7;
	[tilespmem:s30+$0x10000] =	vst v6  }
0x39: {  	[tilespmem:s30+$0xA000] =	vst v9;
	v6 =	vmin.f32 v1, v8;
	v8 =	vmin.f32 v0, v8  }
0x3a: {  	[tilespmem:s30+$0xA080] =	vst v11;
	v9 =	vmin.f32 v1, v10;
	v11 =	vmin.f32 v2, v10;
	v10 =	vmin.f32 v0, v10  }
0x3b: {  	[tilespmem:s30+$0xA100] =	vst v13;
	v13 =	vmin.f32 v1, v12;
	v19 =	vmin.f32 v2, v12;
	v12 =	vmin.f32 v0, v12  }
0x3c: {  	[tilespmem:s30+$0xA180] =	vst v18;
	v18 =	vmin.f32 v1, v14;
	v20 =	vmin.f32 v2, v14;
	v14 =	vmin.f32 v0, v14  }
0x3d: {  	[tilespmem:s30+$0xA200] =	vst v6;
	v1 =	vmin.f32 v1, v17;
	v2 =	vmin.f32 v2, v17;
	v0 =	vmin.f32 v0, v17  }
0x3e: {  	[tilespmem:s30+$0xA280] =	vst v8  }
0x3f: {  	[tilespmem:s30+$0xA300] =	vst v7  }
0x40: {  	[tilespmem:s30+$0xA380] =	vst v5  }
0x41: {  	[tilespmem:s30+$0xC000] =	vst v4  }
0x42: {  	[tilespmem:s30+$0xC080] =	vst v3  }
0x43: {  	[tilespmem:s30+$0xE100] =	vst v2  }
0x44: {  	[tilespmem:s30+$0xE180] =	vst v16  }
0x45: {  	[tilespmem:s30+$0xE080] =	vst v20  }
0x46: {  	[tilespmem:s30+$0xE000] =	vst v19  }
0x47: {  	[tilespmem:s30+$0xC380] =	vst v11  }
0x48: {  	[tilespmem:s30+$0xC300] =	vst v15  }
0x49: {  	[tilespmem:s30+$0xC280] =	vst v1  }
0x4a: {  	[tilespmem:s30+$0xE200] =	vst v10  }
0x4b: {  	[tilespmem:s30+$0xC200] =	vst v18  }
0x4c: {  	[tilespmem:s30+$0xC180] =	vst v13  }
0x4d: {  	[tilespmem:s30+$0xC100] =	vst v9  }
0x4e: {  	s29 =	sadd.s32 $0x10, s29;
	s31 =	sshll.u32 s28, $0x6;
	[tilespmem:s30+$0xE380] =	vst v0  }
0x4f: {  	s1 =	sand.u32 $0x70, s29;
	s31 =	sand.u32 $0x3FFFFE00, s31;
	[tilespmem:s30+$0xE300] =	vst v14  }
.Ltmp5:
0x50: {  	s31 =	sor.u32 s1, s31;
	[tilespmem:s30+$0xE280] =	vst v12;
	(pc) =	sbr.rel @p1 .LBB2_4-.Ltmp5, $4  }
0x51: {  	v1 =	vld [tilespmem:s31+$0x1000]  }
0x52: {  	v2 =	vld [tilespmem:s31+$0x2000]  }
0x53: {  	v0 =	vld [tilespmem:s31+$0x3000]  }
0x54: {  	s28 =	sadd.s32 $0x1, s28;
	v3 =	vld [tilespmem:s31+$0x80]  }
0x55: {  	v4 =	vld [tilespmem:s31+$0x1080]  }
0x56: {  	v5 =	vld [tilespmem:s31+$0x2080]  }
0x57: {  	v6 =	vld [tilespmem:s31+$0x4100]  }
0x58: {  	v7 =	vld [tilespmem:s31+$0x3080]  }
0x59: {  	v8 =	vld [tilespmem:s31+$0x4080]  }
0x5a: {  	v9 =	vld [tilespmem:s31+$0x100];
	s26 =	sshll.u32 s26, $0x7  }
0x5b: {  	v10 =	vld [tilespmem:s31+$0x1100];
	s26 =	sand.u32 $0x3FFFFC00, s26  }
0x5c: {  	v11 =	vld [tilespmem:s31+$0x2100];
	s1 =	sor.u32 s1, s26;
	v14 =	vmin.f32 v1, v3  }
0x5d: {  	v13 =	vld [tilespmem:s31+$0x3100];
	v49 =	vmin.f32 v0, v3;
	[tilespmem:s1+$0xA000] =	vst v14  }
0x5e: {  	v12 =	vmin.f32 v0, v6;
	[tilespmem:s1+$0xC080] =	vst v49  }
0x5f: {  	v45 =	vmin.f32 v1, v4;
	[tilespmem:s1+$0x10000] =	vst v12  }
0x60: {  	v46 =	vmin.f32 v1, v5;
	[tilespmem:s1+$0xA080] =	vst v45  }
0x61: {  	v47 =	vmin.f32 v1, v7;
	[tilespmem:s1+$0xA100] =	vst v46  }
0x62: {  	v48 =	vmin.f32 v1, v8;
	[tilespmem:s1+$0xA180] =	vst v47  }
0x63: {  	v8 =	vmin.f32 v0, v8;
	[tilespmem:s1+$0xA200] =	vst v48  }
0x64: {  	v7 =	vmin.f32 v0, v7;
	[tilespmem:s1+$0xA280] =	vst v8  }
0x65: {  	v5 =	vmin.f32 v0, v5;
	[tilespmem:s1+$0xA300] =	vst v7  }
0x66: {  	v4 =	vmin.f32 v0, v4;
	[tilespmem:s1+$0xA380] =	vst v5  }
0x67: {  	v50 =	vmin.f32 v2, v13;
	[tilespmem:s1+$0xC000] =	vst v4  }
0x68: {  	v51 =	vmin.f32 v2, v6;
	[tilespmem:s1+$0xE100] =	vst v50  }
0x69: {  	v52 =	vmin.f32 v2, v11;
	[tilespmem:s1+$0xE180] =	vst v51  }
0x6a: {  	v53 =	vmin.f32 v2, v10;
	[tilespmem:s1+$0xE080] =	vst v52  }
0x6b: {  	v54 =	vmin.f32 v2, v9;
	[tilespmem:s1+$0xE000] =	vst v53  }
0x6c: {  	v55 =	vmin.f32 v1, v6;
	[tilespmem:s1+$0xC380] =	vst v54  }
0x6d: {  	v56 =	vmin.f32 v1, v13;
	[tilespmem:s1+$0xC300] =	vst v55  }
0x6e: {  	v57 =	vmin.f32 v0, v9;
	[tilespmem:s1+$0xC280] =	vst v56  }
0x6f: {  	v58 =	vmin.f32 v1, v11;
	[tilespmem:s1+$0xE200] =	vst v57  }
0x70: {  	v59 =	vmin.f32 v1, v10;
	[tilespmem:s1+$0xC200] =	vst v58  }
0x71: {  	v60 =	vmin.f32 v1, v9;
	[tilespmem:s1+$0xC180] =	vst v59  }
0x72: {  	v61 =	vmin.f32 v0, v13;
	[tilespmem:s1+$0xC100] =	vst v60  }
0x73: {  	v62 =	vmin.f32 v0, v11;
	[tilespmem:s1+$0xE380] =	vst v61  }
0x74: {  	s30 =	sshll.u32 s25, $0xA;
	v63 =	vmin.f32 v0, v10;
	[tilespmem:s1+$0xE300] =	vst v62  }
0x75: {  	s31 =	sadd.s32 s3, s30;
	[tilespmem:s1+$0xE280] =	vst v63  }
0x76: {  	[hbm4b:s31+s15] =	stream.strided.scatter [tilespmem:s17], [sflag:$0x3], $0x8000, s16, s15, $0x38;
	[tilespmem:$0x1A000] =	vst v63  }
.LBB2_6:
0x77: {  	s1 =	sadd.s32 s8, s24  }
0x78: {  	p1 =	sgt.u32 s1, $0x3CF  }
0x79: {  	s25 =	sor.u32 $0x20, s25;
	s1 =	sshll.u32 @!p1 s1, $0x9;
	s26 =	simm.s32 @!p1 $0x1000  }
0x7a: {  	s28 =	simm.s32 @!p1 $0x3D0A00;
	s29 =	simm.s32 @!p1 $0x0;
	s1 =	sadd.s32 @!p1 s2, s1  }
0x7b: {  	[tilespmem:s29], [sflag:$0x1] =	stream.strided.gather @!p1 [hbm4b:s1+s26], $0x5000, s28, s26, $0x38;
	[tilespmem:$0x1A000] =	vst v63  }
0x7c: {  	p1 =	sgt.u32 s25, $0x3CF  }
.Ltmp6:
0x7d: {  	_ = 	snop;
	(pc) =	sbr.rel @p1 .LBB2_10-.Ltmp6, $1  }
0x7e: {  	_ =	sdelay $0x3  }
0x7f: {  	_ =	swait.ge [sflag:s18], $0x5000  }
0x80: {  	[sflag:s18] =	ssyncset.done $0x0  }
0x81: {  	s1 =	simm.s32 @!p0 $0x4;
	[sflag:s18] =	ssyncadd.s32 $0xFFFFB000  }
0x82: {  	s26 =	simm.s32 $0x0;
	s28 =	simm.s32 $0x0;
	_ =	swait.ge @!p0 [sflag:s1], $0x8000  }
0x83: {  	s31 =	sand.u32 $0x70, s26;
	s28 =	sand.u32 $0x3FFFFE00, s28;
	[sflag:s1] =	ssyncset.done @!p0 $0x0  }
0x84: {  	[sflag:s1] =	ssyncadd.s32 @!p0 $0xFFFF8000;
	s1 =	sor.u32 s31, s28  }
0x85: {  	v1 =	vld [tilespmem:s1+$0x6000]  }
0x86: {  	v2 =	vld [tilespmem:s1+$0x7000]  }
0x87: {  	v0 =	vld [tilespmem:s1+$0x8000]  }
0x88: {  	s29 =	simm.s32 $0x0;
	s28 =	simm.s32 $0x1;
	v3 =	vld [tilespmem:s1+$0x5080]  }
.LBB2_8:
0x89: {  	p0 =	sne.s32 s28, $0x3F;
	v4 =	vld [tilespmem:s1+$0x6080]  }
0x8a: {  	v5 =	vld [tilespmem:s1+$0x7080]  }
0x8b: {  	v6 =	vld [tilespmem:s1+$0x9100]  }
0x8c: {  	v7 =	vld [tilespmem:s1+$0x8080]  }
0x8d: {  	v8 =	vld [tilespmem:s1+$0x9080];
	v9 =	vmin.f32 v1, v3;
	v3 =	vmin.f32 v0, v3  }
0x8e: {  	s30 =	sshll.u32 s26, $0x7;
	s26 =	smov.u32 s28;
	v10 =	vld [tilespmem:s1+$0x5100];
	v11 =	vmin.f32 v1, v4;
	v4 =	vmin.f32 v0, v4  }
0x8f: {  	s30 =	sand.u32 $0x3FFFFC00, s30;
	v12 =	vld [tilespmem:s1+$0x6100];
	v13 =	vmin.f32 v1, v5;
	v5 =	vmin.f32 v0, v5  }
0x90: {  	s30 =	sor.u32 s31, s30;
	v14 =	vld [tilespmem:s1+$0x7100];
	v15 =	vmin.f32 v1, v6;
	v16 =	vmin.f32 v2, v6;
	v6 =	vmin.f32 v0, v6  }
0x91: {  	v17 =	vld [tilespmem:s1+$0x8100];
	v18 =	vmin.f32 v1, v7;
	v7 =	vmin.f32 v0, v7;
	[tilespmem:s30+$0x18000] =	vst v6  }
0x92: {  	[tilespmem:s30+$0x12000] =	vst v9;
	v6 =	vmin.f32 v1, v8;
	v8 =	vmin.f32 v0, v8  }
0x93: {  	[tilespmem:s30+$0x12080] =	vst v11;
	v9 =	vmin.f32 v1, v10;
	v11 =	vmin.f32 v2, v10;
	v10 =	vmin.f32 v0, v10  }
0x94: {  	[tilespmem:s30+$0x12100] =	vst v13;
	v13 =	vmin.f32 v1, v12;
	v19 =	vmin.f32 v2, v12;
	v12 =	vmin.f32 v0, v12  }
0x95: {  	[tilespmem:s30+$0x12180] =	vst v18;
	v18 =	vmin.f32 v1, v14;
	v20 =	vmin.f32 v2, v14;
	v14 =	vmin.f32 v0, v14  }
0x96: {  	[tilespmem:s30+$0x12200] =	vst v6;
	v1 =	vmin.f32 v1, v17;
	v2 =	vmin.f32 v2, v17;
	v0 =	vmin.f32 v0, v17  }
0x97: {  	[tilespmem:s30+$0x12280] =	vst v8  }
0x98: {  	[tilespmem:s30+$0x12300] =	vst v7  }
0x99: {  	[tilespmem:s30+$0x12380] =	vst v5  }
0x9a: {  	[tilespmem:s30+$0x14000] =	vst v4  }
0x9b: {  	[tilespmem:s30+$0x14080] =	vst v3  }
0x9c: {  	[tilespmem:s30+$0x16100] =	vst v2  }
0x9d: {  	[tilespmem:s30+$0x16180] =	vst v16  }
0x9e: {  	[tilespmem:s30+$0x16080] =	vst v20  }
0x9f: {  	[tilespmem:s30+$0x16000] =	vst v19  }
0xa0: {  	[tilespmem:s30+$0x14380] =	vst v11  }
0xa1: {  	[tilespmem:s30+$0x14300] =	vst v15  }
0xa2: {  	[tilespmem:s30+$0x14280] =	vst v1  }
0xa3: {  	[tilespmem:s30+$0x16200] =	vst v10  }
0xa4: {  	[tilespmem:s30+$0x14200] =	vst v18  }
0xa5: {  	[tilespmem:s30+$0x14180] =	vst v13  }
0xa6: {  	[tilespmem:s30+$0x14100] =	vst v9  }
0xa7: {  	s29 =	sadd.s32 $0x10, s29;
	s1 =	sshll.u32 s28, $0x6;
	[tilespmem:s30+$0x16380] =	vst v0  }
0xa8: {  	s31 =	sand.u32 $0x70, s29;
	s1 =	sand.u32 $0x3FFFFE00, s1;
	[tilespmem:s30+$0x16300] =	vst v14  }
.Ltmp7:
0xa9: {  	s1 =	sor.u32 s31, s1;
	[tilespmem:s30+$0x16280] =	vst v12;
	(pc) =	sbr.rel @p0 .LBB2_8-.Ltmp7, $4  }
0xaa: {  	v1 =	vld [tilespmem:s1+$0x6000]  }
0xab: {  	v2 =	vld [tilespmem:s1+$0x7000]  }
0xac: {  	v0 =	vld [tilespmem:s1+$0x8000]  }
0xad: {  	s28 =	sadd.s32 $0x1, s28;
	v3 =	vld [tilespmem:s1+$0x5080]  }
0xae: {  	v4 =	vld [tilespmem:s1+$0x6080]  }
0xaf: {  	v5 =	vld [tilespmem:s1+$0x7080]  }
0xb0: {  	v6 =	vld [tilespmem:s1+$0x9100]  }
0xb1: {  	v7 =	vld [tilespmem:s1+$0x8080]  }
0xb2: {  	v8 =	vld [tilespmem:s1+$0x9080]  }
0xb3: {  	v9 =	vld [tilespmem:s1+$0x5100];
	s26 =	sshll.u32 s26, $0x7  }
0xb4: {  	v10 =	vld [tilespmem:s1+$0x6100];
	s26 =	sand.u32 $0x3FFFFC00, s26  }
0xb5: {  	v11 =	vld [tilespmem:s1+$0x7100];
	s26 =	sor.u32 s31, s26;
	v14 =	vmin.f32 v1, v3  }
0xb6: {  	v13 =	vld [tilespmem:s1+$0x8100];
	v49 =	vmin.f32 v0, v3;
	[tilespmem:s26+$0x12000] =	vst v14  }
0xb7: {  	v12 =	vmin.f32 v0, v6;
	[tilespmem:s26+$0x14080] =	vst v49  }
0xb8: {  	v45 =	vmin.f32 v1, v4;
	[tilespmem:s26+$0x18000] =	vst v12  }
0xb9: {  	v46 =	vmin.f32 v1, v5;
	[tilespmem:s26+$0x12080] =	vst v45  }
0xba: {  	v47 =	vmin.f32 v1, v7;
	[tilespmem:s26+$0x12100] =	vst v46  }
0xbb: {  	v48 =	vmin.f32 v1, v8;
	[tilespmem:s26+$0x12180] =	vst v47  }
0xbc: {  	v8 =	vmin.f32 v0, v8;
	[tilespmem:s26+$0x12200] =	vst v48  }
0xbd: {  	v7 =	vmin.f32 v0, v7;
	[tilespmem:s26+$0x12280] =	vst v8  }
0xbe: {  	v5 =	vmin.f32 v0, v5;
	[tilespmem:s26+$0x12300] =	vst v7  }
0xbf: {  	v4 =	vmin.f32 v0, v4;
	[tilespmem:s26+$0x12380] =	vst v5  }
0xc0: {  	v50 =	vmin.f32 v2, v13;
	[tilespmem:s26+$0x14000] =	vst v4  }
0xc1: {  	v51 =	vmin.f32 v2, v6;
	[tilespmem:s26+$0x16100] =	vst v50  }
0xc2: {  	v52 =	vmin.f32 v2, v11;
	[tilespmem:s26+$0x16180] =	vst v51  }
0xc3: {  	v53 =	vmin.f32 v2, v10;
	[tilespmem:s26+$0x16080] =	vst v52  }
0xc4: {  	v54 =	vmin.f32 v2, v9;
	[tilespmem:s26+$0x16000] =	vst v53  }
0xc5: {  	v55 =	vmin.f32 v1, v6;
	[tilespmem:s26+$0x14380] =	vst v54  }
0xc6: {  	v56 =	vmin.f32 v1, v13;
	[tilespmem:s26+$0x14300] =	vst v55  }
0xc7: {  	v57 =	vmin.f32 v0, v9;
	[tilespmem:s26+$0x14280] =	vst v56  }
0xc8: {  	v58 =	vmin.f32 v1, v11;
	[tilespmem:s26+$0x16200] =	vst v57  }
0xc9: {  	v59 =	vmin.f32 v1, v10;
	[tilespmem:s26+$0x14200] =	vst v58  }
0xca: {  	v60 =	vmin.f32 v1, v9;
	[tilespmem:s26+$0x14180] =	vst v59  }
.Ltmp8:
0xcb: {  	v61 =	vmin.f32 v0, v13;
	[tilespmem:s26+$0x14100] =	vst v60;
	(pc) =	sbr.rel .LBB2_10-.Ltmp8, $4  }
0xcc: {  	v62 =	vmin.f32 v0, v11;
	[tilespmem:s26+$0x16380] =	vst v61  }
0xcd: {  	s31 =	sshll.u32 s25, $0xA;
	v63 =	vmin.f32 v0, v10;
	[tilespmem:s26+$0x16300] =	vst v62  }
0xce: {  	s1 =	sadd.s32 s3, s31;
	[tilespmem:s26+$0x16280] =	vst v63  }
0xcf: {  	[hbm4b:s1+s15] =	stream.strided.scatter [tilespmem:s19], [sflag:$0x4], $0x8000, s16, s15, $0x38;
	[tilespmem:$0x1A000] =	vst v63  }
.LBB2_12:
0xd0: {  	_ =	sfence.sel $0x180000  }
0xd1: {  	[bflag:$0x0] =	sbarrier.arrive $0xFFFF  }
0xd2: {  	_ =	strace $0x90000047  }
0xd3: {  	[bflag:$0x2] =	sbarrier.arrive $0xFFFF  }
0xd4: {  	p0 =	sne.s32 s0, $0x0;
	s0 =	rddreg [dreg:$0x2]  }
0xd5: {  	s0 =	sadd.s32 @!p0 $0x100000, s0  }
0xd6: {  	[sflag:s0] =	ssyncadd.tile.s32 @!p0 $0x1;
	_ =	shalt  }
.Lfunc_end2:
_tile_overlayer_lowered:
.L_overlay_start_2:
0xd7: {  	(tag) =	ssettag $0x2  }
0xd8: {  	s0 =	rddreg [dreg:$0x0];
	s2 =	stileid.u32  }
0xd9: {  	s1 =	rddreg [dreg:$0x1];
	p0 =	sne.s32 s2, $0x0  }
0xda: {  	s3 =	rddreg [dreg:$0x2];
	[bflag:$0x3] =	sbarrier.arrive $0xFFFF;
	s2 =	simm.s32 @!p0 $0x1C05  }
0xdb: {  	[timem:s3], [sflag:s2] =	dma.local @!p0 [hbm:s0], s1  }
0xdc: {  	s0 =	simm.s32 @!p0 $0x5  }
0xdd: {  	_ =	swait.ge @!p0 [sflag:s0], s1  }
0xde: {  	s1 =	ssub.s32 @!p0 $0x0, s1;
	[sflag:s0] =	ssyncset.done @!p0 $0x0  }
0xdf: {  	[sflag:s0] =	ssyncadd.s32 @!p0 s1  }
0xe0: {  	[bflag:$0x3] =	sbarrier.arrive $0xFFFF  }
0xe1: {  	_ =	shalt  }

</sc_bundles>
